<compile_context>
chip_gen: v7x
topology: tpu7x:2x2x1
jax: 0.10.2.dev20260603
libtpu: 0.0.44.dev20260713+nightly
codegen_flags: <defaults>
</compile_context>

<pallas_src>
import functools
import math

import jax
import jax.numpy as jnp
from jax import lax
from jax.experimental import pallas as pl
from jax.experimental.pallas import tpu as pltpu
from jax.experimental.pallas import tpu_sc as plsc

B, S, D, E, K, H, O = 1, 2048, 768, 64, 1, 768, 768
T = 128
NT = S // T
CH = 128
NCH = S // CH



def _router_body(x_ref, gw_ref, gb_ref, pos_ref, st_ref, en_ref, aux_ref):
    f32, i32 = jnp.float32, jnp.int32
    logits = lax.dot_general(
        x_ref[...], gw_ref[...], (((1,), (1,)), ((), ())),
        preferred_element_type=f32) + gb_ref[...]

    mx = jnp.max(logits, axis=1, keepdims=True)
    lse = jnp.log(jnp.sum(jnp.exp(logits - mx), axis=1, keepdims=True)) + mx
    mean_logprob = jnp.sum(logits) / (S * E) - jnp.sum(lse) / S
    aux_ref[0, 0] = 0.01 * (1.0 / E) * (
        jnp.log(jnp.float32(1.0 / E)) - mean_logprob)

    u_strict = (lax.broadcasted_iota(i32, (E, E), 0)
                < lax.broadcasted_iota(i32, (E, E), 1)).astype(f32)
    oh_raw = (logits == mx).astype(f32)
    ex1 = lax.dot_general(oh_raw, u_strict, (((1,), (0,)), ((), ())),
                          preferred_element_type=f32)
    oh = oh_raw * (ex1 == 0.0).astype(f32)

    l_strict = (lax.broadcasted_iota(i32, (CH, CH), 0)
                > lax.broadcasted_iota(i32, (CH, CH), 1)).astype(f32)
    run = jnp.zeros((1, E), f32)
    ranks = []
    for c in range(NCH):
        ohc = oh[c * CH:(c + 1) * CH]
        r = lax.dot_general(l_strict, ohc, (((1,), (0,)), ((), ())),
                            preferred_element_type=f32)
        ranks.append(r + run)
        run = run + jnp.sum(ohc, axis=0, keepdims=True)
    rank2d = jnp.concatenate(ranks, axis=0)
    counts = run

    offs = lax.dot_general(counts, u_strict, (((1,), (0,)), ((), ())),
                           preferred_element_type=f32)
    rank_tok = jnp.sum(rank2d * oh, axis=1)
    offs_tok = jnp.sum(oh * offs, axis=1)
    pos_ref[...] = (offs_tok + rank_tok).astype(i32)
    st_ref[...] = offs[0].astype(i32)
    en_ref[...] = (offs[0] + counts[0]).astype(i32)


def _route(x2, gate_W, gate_b):
    i32 = jnp.int32
    return pl.pallas_call(
        _router_body,
        out_shape=[
            jax.ShapeDtypeStruct((S,), i32),
            jax.ShapeDtypeStruct((E,), i32),
            jax.ShapeDtypeStruct((E,), i32),
            jax.ShapeDtypeStruct((1, 1), jnp.float32),
        ],
        out_specs=[
            pl.BlockSpec(memory_space=pltpu.VMEM),
            pl.BlockSpec(memory_space=pltpu.VMEM),
            pl.BlockSpec(memory_space=pltpu.VMEM),
            pl.BlockSpec(memory_space=pltpu.SMEM),
        ],
    )(x2, gate_W, gate_b.reshape(1, E))



def _ffn_body(st_ref, en_ref, xs_ref, w1_ref, w2_ref, out_ref):
    e = pl.program_id(0)
    s0 = st_ref[e]
    s1 = en_ref[e]
    t0 = lax.div(s0, T)
    ntile = jnp.where(s1 > s0, lax.div(s1 - 1, T) + 1 - t0, 0)

    def body(i, carry):
        tb = pl.multiple_of((t0 + i) * T, T)
        xs = xs_ref[pl.ds(tb, T), :].astype(jnp.bfloat16)
        h = lax.dot_general(xs, w1_ref[0], (((1,), (1,)), ((), ())),
                            preferred_element_type=jnp.float32)
        h = 0.5 * h * (1.0 + lax.erf(h * (1.0 / math.sqrt(2.0))))
        y = lax.dot_general(h.astype(jnp.bfloat16), w2_ref[0],
                            (((1,), (1,)), ((), ())),
                            preferred_element_type=jnp.float32)
        rows = lax.broadcasted_iota(jnp.int32, (T, 1), 0)
        m = (rows >= s0 - tb) & (rows < s1 - tb)
        contrib = jnp.where(m, y, 0.0)

        @pl.when(tb >= s0)
        def _():
            out_ref[pl.ds(tb, T), :] = contrib

        @pl.when(tb < s0)
        def _():
            out_ref[pl.ds(tb, T), :] = out_ref[pl.ds(tb, T), :] + contrib

        return carry

    lax.fori_loop(0, ntile, body, 0)


def _ffn(st, en, x_sorted, fc1_W, fc2_W):
    grid_spec = pltpu.PrefetchScalarGridSpec(
        num_scalar_prefetch=2,
        grid=(E,),
        in_specs=[
            pl.BlockSpec((S, D), lambda e, st, en: (0, 0)),
            pl.BlockSpec((1, H, D), lambda e, st, en: (e, 0, 0)),
            pl.BlockSpec((1, O, H), lambda e, st, en: (e, 0, 0)),
        ],
        out_specs=pl.BlockSpec((S, O), lambda e, st, en: (0, 0)),
    )
    return pl.pallas_call(
        _ffn_body,
        grid_spec=grid_spec,
        out_shape=jax.ShapeDtypeStruct((S, O), jnp.float32),
    )(st, en, x_sorted, fc1_W, fc2_W)



def _sc_scatter(rows, pos):
    info = plsc.get_sparse_core_info()
    nw = info.num_cores * info.num_subcores
    n, d = rows.shape
    b_per_w = n // nw
    mesh = plsc.VectorSubcoreMesh(core_axis_name="c", subcore_axis_name="s")

    @functools.partial(
        pl.kernel, mesh=mesh,
        out_type=jax.ShapeDtypeStruct((n, d), jnp.float32),
        scratch_types=[
            pltpu.VMEM((b_per_w,), jnp.int32),
            pltpu.VMEM((b_per_w, d), jnp.float32),
            pltpu.SemaphoreType.DMA,
        ],
    )
    def sk(rows_hbm, pos_hbm, out_hbm, idx_v, rows_v, sem):
        wid = lax.axis_index("s") * info.num_cores + lax.axis_index("c")
        base = wid * b_per_w
        pltpu.sync_copy(pos_hbm.at[pl.ds(base, b_per_w)], idx_v)
        pltpu.sync_copy(rows_hbm.at[pl.ds(base, b_per_w)], rows_v)
        pltpu.async_copy(rows_v, out_hbm.at[idx_v], sem).wait()

    return sk(rows, pos)


def _sc_gather(table, idx):
    info = plsc.get_sparse_core_info()
    nw = info.num_cores * info.num_subcores
    n, d = table.shape
    b_per_w = n // nw
    mesh = plsc.VectorSubcoreMesh(core_axis_name="c", subcore_axis_name="s")

    @functools.partial(
        pl.kernel, mesh=mesh,
        out_type=jax.ShapeDtypeStruct((n, d), jnp.float32),
        scratch_types=[
            pltpu.VMEM((b_per_w,), jnp.int32),
            pltpu.VMEM((b_per_w, d), jnp.float32),
            pltpu.SemaphoreType.DMA,
        ],
    )
    def gk(table_hbm, idx_hbm, out_hbm, idx_v, rows_v, sem):
        wid = lax.axis_index("s") * info.num_cores + lax.axis_index("c")
        base = wid * b_per_w
        pltpu.sync_copy(idx_hbm.at[pl.ds(base, b_per_w)], idx_v)
        pltpu.async_copy(table_hbm.at[idx_v], rows_v, sem).wait()
        pltpu.sync_copy(rows_v, out_hbm.at[pl.ds(base, b_per_w)])

    return gk(table, idx)



def kernel(x, gate_W, gate_b, fc1_W, fc1_b, fc2_W, fc2_b):
    x2 = x.reshape(S, D)
    pos, st, en, aux = _route(x2, gate_W, gate_b)
    x_sorted = _sc_scatter(x2, pos)
    out_sorted = _ffn(st, en, x_sorted,
                      fc1_W.astype(jnp.bfloat16), fc2_W.astype(jnp.bfloat16))
    out = _sc_gather(out_sorted, pos)
    return out.reshape(B, S, O), aux.reshape(())

# --- scband reference (transcript-rebuilt; emitter-appended) ---
"""Pipeline reference for scband-mo-elayer-40802189312327 (READ-ONLY COPY).

The authoritative reference and input builder live on the scoring server;
editing this copy changes nothing except your own understanding.
"""

import jax, jax.numpy as jnp
import numpy as np

B, S, D, E, K, H, O = 1, 2048, 768, 64, 1, 768, 768

def setup_inputs(seed: int = 0):
    key = jax.random.key(seed)
    ks = jax.random.split(key, 7)
    x = jax.random.normal(ks[0], (B, S, D), dtype=jnp.float32)
    gate_W = jax.random.normal(ks[1], (E, D), dtype=jnp.float32) * 0.02
    gate_b = jnp.zeros((E,), dtype=jnp.float32)
    fc1_W = jax.random.normal(ks[2], (E, H, D), dtype=jnp.float32) * 0.02
    fc1_b = jnp.zeros((E, H), dtype=jnp.float32)
    fc2_W = jax.random.normal(ks[3], (E, O, H), dtype=jnp.float32) * 0.02
    fc2_b = jnp.zeros((E, O), dtype=jnp.float32)
    return {"x": x, "gate_W": gate_W, "gate_b": gate_b, "fc1_W": fc1_W, "fc1_b": fc1_b, "fc2_W": fc2_W, "fc2_b": fc2_b}

def reference(x, gate_W, gate_b, fc1_W, fc1_b, fc2_W, fc2_b):
    # gating (TopKGating.forward)
    logits = jnp.einsum('bsd,ed->bse', x, gate_W) + gate_b
    top_k_logits, expert_indices = jax.lax.top_k(logits, K)
    gate_scores = jax.nn.softmax(top_k_logits, axis=-1)
    gate_probs = jax.nn.softmax(logits, axis=-1).reshape(-1, E)
    expert_mask = jax.nn.one_hot(expert_indices, E, dtype=jnp.float32).sum(axis=-2)
    expert_load = expert_mask.sum(axis=(0, 1)) / expert_mask.size
    ideal_load = jnp.ones_like(expert_load) / E
    # F.kl_div(log_probs, target, reduction='mean') = mean(target * (log(target) - log_probs))
    aux_loss = 0.01 * jnp.mean(ideal_load[None, :] * (jnp.log(ideal_load[None, :]) - jnp.log(gate_probs)))
    # expert dispatch (MoELayer.forward)
    x_flat = x.reshape(-1, D)
    gate_flat = gate_scores.reshape(-1, K)
    idx_flat = expert_indices.reshape(-1, K)
    n_tok = x_flat.shape[0]
    tok_ids = jnp.arange(n_tok)
    out_flat = jnp.zeros((x_flat.shape[0], O), dtype=x.dtype)
    for e in range(E):
        m = idx_flat == e
        active = m.any(axis=-1)
        slot = jnp.argmax(m, axis=-1)
        h = jax.nn.gelu(x_flat @ fc1_W[e].T + fc1_b[e], approximate=False)  # dropout p=0.0 -> identity
        eo = h @ fc2_W[e].T + fc2_b[e]
        sc = gate_flat[tok_ids, slot]
        contrib = jnp.where(active[:, None], sc[:, None] * eo, 0.0)
        out_flat = out_flat + contrib
    output = out_flat.reshape(B, S, O)
    return output, aux_loss

if __name__ == "__main__":
    import jax
    _d = setup_inputs()
    print(jax.jit(kernel)(*tuple(_d.values())))

</pallas_src>

<mosaic_0001>
#map = affine_map<(d0, d1) -> (0, 0)>
#map1 = affine_map<(d0, d1) -> (0)>
module attributes {stable_mosaic.version = 14 : i64} {
  func.func @sk(%arg0: i32, %arg1: i32, %arg2: memref<2048x768xf32, #tpu.memory_space<hbm>>, %arg3: memref<2048xi32, #tpu.memory_space<hbm>>, %arg4: memref<2048x768xf32, #tpu.memory_space<hbm>>, %arg5: memref<64xi32, #tpu.memory_space<vmem>>, %arg6: memref<64x768xf32, #tpu.memory_space<vmem>>, %arg7: memref<!tpu.dma_semaphore, #tpu.memory_space<semaphore_mem>>) attributes {dimension_semantics = [#tpu.dimension_semantics<core_parallel>, #tpu.dimension_semantics<subcore_parallel>], iteration_bounds = array<i64: 2, 16>, scalar_prefetch = 0 : i64, scratch_operands = 3 : i64, tpu.core_type = #tpu.core_type<sc_vector_subcore>, window_params = [{transform_indices = #map}, {transform_indices = #map1}, {transform_indices = #map}]} {
    %mul3A = arith.constant 2 : i32
    %mul3A_0 = arith.muli %arg1, %mul3A : i32
    %add3A = arith.addi %mul3A_0, %arg0 : i32
    %mul3A_1 = arith.constant 64 : i32
    %mul3A_2 = arith.muli %add3A, %mul3A_1 : i32
    "tpu.region"() ({
      %run_scoped3A = tpu.sem_alloc : memref<!tpu.dma_semaphore, #tpu.memory_space<semaphore_mem>>
      %dma_start3A_7 = tpu.memref_slice %arg3[%mul3A_2] : memref<2048xi32, #tpu.memory_space<hbm>> -> memref<64xi32, #tpu.memory_space<hbm>>
      %dma_start3A_8 = tpu.memref_slice %arg3[%mul3A_2] : memref<2048xi32, #tpu.memory_space<hbm>> -> memref<64xi32, #tpu.memory_space<hbm>>
      tpu.enqueue_dma source(%dma_start3A_8 : memref<64xi32, #tpu.memory_space<hbm>>) target(%arg5 : memref<64xi32, #tpu.memory_space<vmem>>) target_semaphore(%run_scoped3A : memref<!tpu.dma_semaphore, #tpu.memory_space<semaphore_mem>>)
      %dma_wait3A_9 = tpu.memref_slice %arg3[%mul3A_2] : memref<2048xi32, #tpu.memory_space<hbm>> -> memref<64xi32, #tpu.memory_space<hbm>>
      %dma_wait3A_10 = tpu.memref_slice %arg3[%mul3A_2] : memref<2048xi32, #tpu.memory_space<hbm>> -> memref<64xi32, #tpu.memory_space<hbm>>
      tpu.wait_dma2 semaphore(%run_scoped3A : memref<!tpu.dma_semaphore, #tpu.memory_space<semaphore_mem>>) src(%dma_wait3A_10 : memref<64xi32, #tpu.memory_space<hbm>>) dst(%arg5 : memref<64xi32, #tpu.memory_space<vmem>>)
      tpu.yield
    }) : () -> ()
    "tpu.region"() ({
      %run_scoped3A = tpu.sem_alloc : memref<!tpu.dma_semaphore, #tpu.memory_space<semaphore_mem>>
      %dma_start3A_7 = arith.constant 0 : i32
      %dma_start3A_8 = tpu.memref_slice %arg2[%mul3A_2, %dma_start3A_7] : memref<2048x768xf32, #tpu.memory_space<hbm>> -> memref<64x768xf32, #tpu.memory_space<hbm>>
      %dma_start3A_9 = arith.constant 0 : i32
      %dma_start3A_10 = tpu.memref_slice %arg2[%mul3A_2, %dma_start3A_9] : memref<2048x768xf32, #tpu.memory_space<hbm>> -> memref<64x768xf32, #tpu.memory_space<hbm>>
      tpu.enqueue_dma source(%dma_start3A_10 : memref<64x768xf32, #tpu.memory_space<hbm>>) target(%arg6 : memref<64x768xf32, #tpu.memory_space<vmem>>) target_semaphore(%run_scoped3A : memref<!tpu.dma_semaphore, #tpu.memory_space<semaphore_mem>>)
      %dma_wait3A_11 = arith.constant 0 : i32
      %dma_wait3A_12 = tpu.memref_slice %arg2[%mul3A_2, %dma_wait3A_11] : memref<2048x768xf32, #tpu.memory_space<hbm>> -> memref<64x768xf32, #tpu.memory_space<hbm>>
      %dma_wait3A_13 = arith.constant 0 : i32
      %dma_wait3A_14 = tpu.memref_slice %arg2[%mul3A_2, %dma_wait3A_13] : memref<2048x768xf32, #tpu.memory_space<hbm>> -> memref<64x768xf32, #tpu.memory_space<hbm>>
      tpu.wait_dma2 semaphore(%run_scoped3A : memref<!tpu.dma_semaphore, #tpu.memory_space<semaphore_mem>>) src(%dma_wait3A_14 : memref<64x768xf32, #tpu.memory_space<hbm>>) dst(%arg6 : memref<64x768xf32, #tpu.memory_space<vmem>>)
      tpu.yield
    }) : () -> ()
    %dma_start3A = arith.constant 0 : i32
    %dma_start3A_3 = arith.constant 0 : i32
    %dma_start3A_4 = tpu.memref_slice %arg4[%dma_start3A, %dma_start3A_3] : memref<2048x768xf32, #tpu.memory_space<hbm>> -> memref<2048x768xf32, #tpu.memory_space<hbm>>
    tpu.enqueue_indirect_dma source(%arg6 : memref<64x768xf32, #tpu.memory_space<vmem>>) target(%dma_start3A_4 : memref<2048x768xf32, #tpu.memory_space<hbm>>) offsets(%arg5 : memref<64xi32, #tpu.memory_space<vmem>>) semaphore(%arg7 : memref<!tpu.dma_semaphore, #tpu.memory_space<semaphore_mem>>)
    %dma_wait3A = arith.constant 0 : i32
    %dma_wait3A_5 = arith.constant 0 : i32
    %dma_wait3A_6 = tpu.memref_slice %arg4[%dma_wait3A, %dma_wait3A_5] : memref<2048x768xf32, #tpu.memory_space<hbm>> -> memref<2048x768xf32, #tpu.memory_space<hbm>>
    tpu.wait_indirect_dma semaphore(%arg7 : memref<!tpu.dma_semaphore, #tpu.memory_space<semaphore_mem>>) src(%arg6 : memref<64x768xf32, #tpu.memory_space<vmem>>) dst(%dma_wait3A_6 : memref<2048x768xf32, #tpu.memory_space<hbm>>)
    return
  }
}

#map = affine_map<(d0, d1) -> (0, 0)>
#map1 = affine_map<(d0, d1) -> (0)>
module attributes {stable_mosaic.version = 14 : i64} {
  func.func @gk(%arg0: i32, %arg1: i32, %arg2: memref<2048x768xf32, #tpu.memory_space<hbm>>, %arg3: memref<2048xi32, #tpu.memory_space<hbm>>, %arg4: memref<2048x768xf32, #tpu.memory_space<hbm>>, %arg5: memref<64xi32, #tpu.memory_space<vmem>>, %arg6: memref<64x768xf32, #tpu.memory_space<vmem>>, %arg7: memref<!tpu.dma_semaphore, #tpu.memory_space<semaphore_mem>>) attributes {dimension_semantics = [#tpu.dimension_semantics<core_parallel>, #tpu.dimension_semantics<subcore_parallel>], iteration_bounds = array<i64: 2, 16>, scalar_prefetch = 0 : i64, scratch_operands = 3 : i64, tpu.core_type = #tpu.core_type<sc_vector_subcore>, window_params = [{transform_indices = #map}, {transform_indices = #map1}, {transform_indices = #map}]} {
    %mul3A = arith.constant 2 : i32
    %mul3A_0 = arith.muli %arg1, %mul3A : i32
    %add3A = arith.addi %mul3A_0, %arg0 : i32
    %mul3A_1 = arith.constant 64 : i32
    %mul3A_2 = arith.muli %add3A, %mul3A_1 : i32
    "tpu.region"() ({
      %run_scoped3A = tpu.sem_alloc : memref<!tpu.dma_semaphore, #tpu.memory_space<semaphore_mem>>
      %dma_start3A_7 = tpu.memref_slice %arg3[%mul3A_2] : memref<2048xi32, #tpu.memory_space<hbm>> -> memref<64xi32, #tpu.memory_space<hbm>>
      %dma_start3A_8 = tpu.memref_slice %arg3[%mul3A_2] : memref<2048xi32, #tpu.memory_space<hbm>> -> memref<64xi32, #tpu.memory_space<hbm>>
      tpu.enqueue_dma source(%dma_start3A_8 : memref<64xi32, #tpu.memory_space<hbm>>) target(%arg5 : memref<64xi32, #tpu.memory_space<vmem>>) target_semaphore(%run_scoped3A : memref<!tpu.dma_semaphore, #tpu.memory_space<semaphore_mem>>)
      %dma_wait3A_9 = tpu.memref_slice %arg3[%mul3A_2] : memref<2048xi32, #tpu.memory_space<hbm>> -> memref<64xi32, #tpu.memory_space<hbm>>
      %dma_wait3A_10 = tpu.memref_slice %arg3[%mul3A_2] : memref<2048xi32, #tpu.memory_space<hbm>> -> memref<64xi32, #tpu.memory_space<hbm>>
      tpu.wait_dma2 semaphore(%run_scoped3A : memref<!tpu.dma_semaphore, #tpu.memory_space<semaphore_mem>>) src(%dma_wait3A_10 : memref<64xi32, #tpu.memory_space<hbm>>) dst(%arg5 : memref<64xi32, #tpu.memory_space<vmem>>)
      tpu.yield
    }) : () -> ()
    %dma_start3A = arith.constant 0 : i32
    %dma_start3A_3 = arith.constant 0 : i32
    %dma_start3A_4 = tpu.memref_slice %arg2[%dma_start3A, %dma_start3A_3] : memref<2048x768xf32, #tpu.memory_space<hbm>> -> memref<2048x768xf32, #tpu.memory_space<hbm>>
    tpu.enqueue_indirect_dma source(%dma_start3A_4 : memref<2048x768xf32, #tpu.memory_space<hbm>>) target(%arg6 : memref<64x768xf32, #tpu.memory_space<vmem>>) offsets(%arg5 : memref<64xi32, #tpu.memory_space<vmem>>) semaphore(%arg7 : memref<!tpu.dma_semaphore, #tpu.memory_space<semaphore_mem>>)
    %dma_wait3A = arith.constant 0 : i32
    %dma_wait3A_5 = arith.constant 0 : i32
    %dma_wait3A_6 = tpu.memref_slice %arg2[%dma_wait3A, %dma_wait3A_5] : memref<2048x768xf32, #tpu.memory_space<hbm>> -> memref<2048x768xf32, #tpu.memory_space<hbm>>
    tpu.wait_indirect_dma semaphore(%arg7 : memref<!tpu.dma_semaphore, #tpu.memory_space<semaphore_mem>>) src(%dma_wait3A_6 : memref<2048x768xf32, #tpu.memory_space<hbm>>) dst(%arg6 : memref<64x768xf32, #tpu.memory_space<vmem>>)
    "tpu.region"() ({
      %run_scoped3A = tpu.sem_alloc : memref<!tpu.dma_semaphore, #tpu.memory_space<semaphore_mem>>
      %dma_start3A_7 = arith.constant 0 : i32
      %dma_start3A_8 = tpu.memref_slice %arg4[%mul3A_2, %dma_start3A_7] : memref<2048x768xf32, #tpu.memory_space<hbm>> -> memref<64x768xf32, #tpu.memory_space<hbm>>
      %dma_start3A_9 = arith.constant 0 : i32
      %dma_start3A_10 = tpu.memref_slice %arg4[%mul3A_2, %dma_start3A_9] : memref<2048x768xf32, #tpu.memory_space<hbm>> -> memref<64x768xf32, #tpu.memory_space<hbm>>
      tpu.enqueue_dma source(%arg6 : memref<64x768xf32, #tpu.memory_space<vmem>>) target(%dma_start3A_10 : memref<64x768xf32, #tpu.memory_space<hbm>>) target_semaphore(%run_scoped3A : memref<!tpu.dma_semaphore, #tpu.memory_space<semaphore_mem>>)
      %dma_wait3A_11 = arith.constant 0 : i32
      %dma_wait3A_12 = tpu.memref_slice %arg4[%mul3A_2, %dma_wait3A_11] : memref<2048x768xf32, #tpu.memory_space<hbm>> -> memref<64x768xf32, #tpu.memory_space<hbm>>
      %dma_wait3A_13 = arith.constant 0 : i32
      %dma_wait3A_14 = tpu.memref_slice %arg4[%mul3A_2, %dma_wait3A_13] : memref<2048x768xf32, #tpu.memory_space<hbm>> -> memref<64x768xf32, #tpu.memory_space<hbm>>
      tpu.wait_dma2 semaphore(%run_scoped3A : memref<!tpu.dma_semaphore, #tpu.memory_space<semaphore_mem>>) src(%arg6 : memref<64x768xf32, #tpu.memory_space<vmem>>) dst(%dma_wait3A_14 : memref<64x768xf32, #tpu.memory_space<hbm>>)
      tpu.yield
    }) : () -> ()
    return
  }
}

module attributes {stable_mosaic.version = 14 : i64} {
  func.func @_ffn_body(%arg0: i32, %arg1: memref<64xi32, #tpu.memory_space<smem>>, %arg2: memref<64xi32, #tpu.memory_space<smem>>, %arg3: memref<2048x768xf32, #tpu.memory_space<vmem>>, %arg4: memref<1x768x768xbf16, #tpu.memory_space<vmem>>, %arg5: memref<1x768x768xbf16, #tpu.memory_space<vmem>>, %arg6: memref<2048x768xf32, #tpu.memory_space<vmem>>) attributes {dimension_semantics = [#tpu.dimension_semantics<arbitrary>], iteration_bounds = array<i64: 64>, scalar_prefetch = 2 : i64, scratch_operands = 0 : i64, tpu.core_type = #tpu.core_type<tc>, window_params = [{pipeline_mode = #tpu.pipeline_mode<synchronous>, transform_indices = @transform_0, window_bounds = array<i64: 2048, 768>}, {transform_indices = @transform_1, window_bounds = array<i64: 1, 768, 768>}, {transform_indices = @transform_2, window_bounds = array<i64: 1, 768, 768>}, {pipeline_mode = #tpu.pipeline_mode<synchronous>, transform_indices = @transform_3, window_bounds = array<i64: 2048, 768>}]} {
    %get3A = arith.index_cast %arg0 : i32 to index
    %get3A_0 = memref.load %arg1[%get3A] : memref<64xi32, #tpu.memory_space<smem>>
    %get3A_1 = arith.index_cast %arg0 : i32 to index
    %get3A_2 = memref.load %arg2[%get3A_1] : memref<64xi32, #tpu.memory_space<smem>>
    %div3A = arith.constant 128 : i32
    %div3A_3 = arith.divsi %get3A_0, %div3A : i32
    %gt3A = arith.cmpi sgt, %get3A_2, %get3A_0 : i32
    %sub3A = arith.constant 1 : i32
    %sub3A_4 = arith.subi %get3A_2, %sub3A : i32
    %div3A_5 = arith.constant 128 : i32
    %div3A_6 = arith.divsi %sub3A_4, %div3A_5 : i32
    %add3A = arith.constant 1 : i32
    %add3A_7 = arith.addi %div3A_6, %add3A : i32
    %sub3A_8 = arith.subi %add3A_7, %div3A_3 : i32
    %jit3A = arith.constant 0 : i32
    %select_n3A = arith.select %gt3A, %sub3A_8, %jit3A : i32
    %while3A = arith.constant 0 : i32
    %while3A_9 = arith.constant 0 : i32
    %while3A_10 = arith.subi %select_n3A, %while3A_9 : i32
    %while3A_11 = arith.addi %while3A_9, %while3A_10 : i32
    %while3A_12 = arith.constant 1 : i32
    %while3A_13 = arith.divsi %while3A_10, %while3A_12 : i32
    %while3A_14 = arith.muli %while3A_13, %while3A_12 : i32
    %while3A_15 = arith.addi %while3A_9, %while3A_14 : i32
    %while3A_16 = arith.constant 1 : i32
    scf.for %while3A_18 = %while3A_9 to %while3A_15 step %while3A_16  : i32 {
      %add3A_19 = arith.addi %div3A_3, %while3A_18 : i32
      %mul3A = arith.constant 128 : i32
      %mul3A_20 = arith.muli %add3A_19, %mul3A : i32
      %multiple_of3A = tpu.assume_multiple %mul3A_20, 128 : i32
      %get3A_21 = arith.index_cast %multiple_of3A : i32 to index
      %get3A_22 = arith.constant 0 : index
      %get3A_23 = vector.load %arg3[%get3A_21, %get3A_22] : memref<2048x768xf32, #tpu.memory_space<vmem>>, vector<128x768xf32>
      %convert_element_type3A = arith.truncf %get3A_23 : vector<128x768xf32> to vector<128x768xbf16>
      %get3A_24 = arith.constant 0 : index
      %get3A_25 = arith.constant 0 : index
      %get3A_26 = arith.constant 0 : index
      %get3A_27 = vector.load %arg4[%get3A_24, %get3A_25, %get3A_26] : memref<1x768x768xbf16, #tpu.memory_space<vmem>>, vector<1x768x768xbf16>
      %get3A_28 = vector.shape_cast %get3A_27 : vector<1x768x768xbf16> to vector<768x768xbf16>
      %dot_general3A = arith.constant dense<0.000000e+00> : vector<128x768xf32>
      %dot_general3A_29 = tpu.matmul %convert_element_type3A, %get3A_28, %dot_general3A {dimension_numbers = #tpu.dot_dimension_numbers<[1], [1], [0], [0], [0, 0, 1, 0], [], []>, transpose_lhs_hint = false} : vector<128x768xbf16>, vector<768x768xbf16>, vector<128x768xf32> -> vector<128x768xf32>
      %mul3A_30 = arith.constant 5.000000e-01 : f32
      %mul3A_31 = vector.broadcast %mul3A_30 : f32 to vector<128x768xf32>
      %mul3A_32 = arith.mulf %mul3A_31, %dot_general3A_29 : vector<128x768xf32>
      %mul3A_33 = arith.constant 0.707106769 : f32
      %mul3A_34 = vector.broadcast %mul3A_33 : f32 to vector<128x768xf32>
      %mul3A_35 = arith.mulf %dot_general3A_29, %mul3A_34 : vector<128x768xf32>
      %erf3A = math.erf %mul3A_35 : vector<128x768xf32>
      %add3A_36 = arith.constant 1.000000e+00 : f32
      %add3A_37 = vector.broadcast %add3A_36 : f32 to vector<128x768xf32>
      %add3A_38 = arith.addf %add3A_37, %erf3A : vector<128x768xf32>
      %mul3A_39 = arith.mulf %mul3A_32, %add3A_38 : vector<128x768xf32>
      %convert_element_type3A_40 = arith.truncf %mul3A_39 : vector<128x768xf32> to vector<128x768xbf16>
      %get3A_41 = arith.constant 0 : index
      %get3A_42 = arith.constant 0 : index
      %get3A_43 = arith.constant 0 : index
      %get3A_44 = vector.load %arg5[%get3A_41, %get3A_42, %get3A_43] : memref<1x768x768xbf16, #tpu.memory_space<vmem>>, vector<1x768x768xbf16>
      %get3A_45 = vector.shape_cast %get3A_44 : vector<1x768x768xbf16> to vector<768x768xbf16>
      %dot_general3A_46 = arith.constant dense<0.000000e+00> : vector<128x768xf32>
      %dot_general3A_47 = tpu.matmul %convert_element_type3A_40, %get3A_45, %dot_general3A_46 {dimension_numbers = #tpu.dot_dimension_numbers<[1], [1], [0], [0], [0, 0, 1, 0], [], []>, transpose_lhs_hint = false} : vector<128x768xbf16>, vector<768x768xbf16>, vector<128x768xf32> -> vector<128x768xf32>
      %iota3A = tpu.iota {dimensions = array<i32: 0>} : vector<128x1xi32>
      %sub3A_48 = arith.subi %get3A_0, %multiple_of3A : i32
      %ge3A = vector.broadcast %sub3A_48 : i32 to vector<128x1xi32>
      %ge3A_49 = arith.cmpi sge, %iota3A, %ge3A : vector<128x1xi32>
      %sub3A_50 = arith.subi %get3A_2, %multiple_of3A : i32
      %lt3A = vector.broadcast %sub3A_50 : i32 to vector<128x1xi32>
      %lt3A_51 = arith.cmpi slt, %iota3A, %lt3A : vector<128x1xi32>
      %and3A = arith.andi %ge3A_49, %lt3A_51 : vector<128x1xi1>
      %jit3A_52 = arith.constant 0.000000e+00 : f32
      %broadcast_in_dim3A = vector.shape_cast %and3A : vector<128x1xi1> to vector<128x1xi1>
      %broadcast_in_dim3A_53 = vector.broadcast %broadcast_in_dim3A : vector<128x1xi1> to vector<128x768xi1>
      %broadcast_in_dim3A_54 = vector.broadcast %jit3A_52 : f32 to vector<128x768xf32>
      %select_n3A_55 = arith.select %broadcast_in_dim3A_53, %dot_general3A_47, %broadcast_in_dim3A_54 : vector<128x768xi1>, vector<128x768xf32>
      %ge3A_56 = arith.cmpi sge, %multiple_of3A, %get3A_0 : i32
      %convert_element_type3A_57 = arith.extui %ge3A_56 : i1 to i32
      %cond3A = arith.constant 0 : i32
      %cond3A_58 = arith.cmpi ne, %convert_element_type3A_57, %cond3A : i32
      scf.if %cond3A_58 {
        %swap3A = arith.index_cast %multiple_of3A : i32 to index
        %swap3A_63 = arith.constant 0 : index
        %swap3A_64 = vector.load %arg6[%swap3A, %swap3A_63] : memref<2048x768xf32, #tpu.memory_space<vmem>>, vector<128x768xf32>
        tpu.vector_store %arg6[%swap3A, %swap3A_63], %select_n3A_55 {strides = array<i32>} : memref<2048x768xf32, #tpu.memory_space<vmem>>, vector<128x768xf32>,
      } else {
      }
      %lt3A_59 = arith.cmpi slt, %multiple_of3A, %get3A_0 : i32
      %convert_element_type3A_60 = arith.extui %lt3A_59 : i1 to i32
      %cond3A_61 = arith.constant 0 : i32
      %cond3A_62 = arith.cmpi ne, %convert_element_type3A_60, %cond3A_61 : i32
      scf.if %cond3A_62 {
        %get3A_63 = arith.index_cast %multiple_of3A : i32 to index
        %get3A_64 = arith.constant 0 : index
        %get3A_65 = vector.load %arg6[%get3A_63, %get3A_64] : memref<2048x768xf32, #tpu.memory_space<vmem>>, vector<128x768xf32>
        %add3A_66 = arith.addf %get3A_65, %select_n3A_55 : vector<128x768xf32>
        %swap3A = arith.index_cast %multiple_of3A : i32 to index
        %swap3A_67 = arith.constant 0 : index
        %swap3A_68 = vector.load %arg6[%swap3A, %swap3A_67] : memref<2048x768xf32, #tpu.memory_space<vmem>>, vector<128x768xf32>
        tpu.vector_store %arg6[%swap3A, %swap3A_67], %add3A_66 {strides = array<i32>} : memref<2048x768xf32, #tpu.memory_space<vmem>>, vector<128x768xf32>,
      } else {
      }
    }
    %while3A_17 = arith.constant 1 : i32
    scf.for %while3A_18 = %while3A_15 to %while3A_11 step %while3A_17  : i32 {
      %add3A_19 = arith.addi %div3A_3, %while3A_18 : i32
      %mul3A = arith.constant 128 : i32
      %mul3A_20 = arith.muli %add3A_19, %mul3A : i32
      %multiple_of3A = tpu.assume_multiple %mul3A_20, 128 : i32
      %get3A_21 = arith.index_cast %multiple_of3A : i32 to index
      %get3A_22 = arith.constant 0 : index
      %get3A_23 = vector.load %arg3[%get3A_21, %get3A_22] : memref<2048x768xf32, #tpu.memory_space<vmem>>, vector<128x768xf32>
      %convert_element_type3A = arith.truncf %get3A_23 : vector<128x768xf32> to vector<128x768xbf16>
      %get3A_24 = arith.constant 0 : index
      %get3A_25 = arith.constant 0 : index
      %get3A_26 = arith.constant 0 : index
      %get3A_27 = vector.load %arg4[%get3A_24, %get3A_25, %get3A_26] : memref<1x768x768xbf16, #tpu.memory_space<vmem>>, vector<1x768x768xbf16>
      %get3A_28 = vector.shape_cast %get3A_27 : vector<1x768x768xbf16> to vector<768x768xbf16>
      %dot_general3A = arith.constant dense<0.000000e+00> : vector<128x768xf32>
      %dot_general3A_29 = tpu.matmul %convert_element_type3A, %get3A_28, %dot_general3A {dimension_numbers = #tpu.dot_dimension_numbers<[1], [1], [0], [0], [0, 0, 1, 0], [], []>, transpose_lhs_hint = false} : vector<128x768xbf16>, vector<768x768xbf16>, vector<128x768xf32> -> vector<128x768xf32>
      %mul3A_30 = arith.constant 5.000000e-01 : f32
      %mul3A_31 = vector.broadcast %mul3A_30 : f32 to vector<128x768xf32>
      %mul3A_32 = arith.mulf %mul3A_31, %dot_general3A_29 : vector<128x768xf32>
      %mul3A_33 = arith.constant 0.707106769 : f32
      %mul3A_34 = vector.broadcast %mul3A_33 : f32 to vector<128x768xf32>
      %mul3A_35 = arith.mulf %dot_general3A_29, %mul3A_34 : vector<128x768xf32>
      %erf3A = math.erf %mul3A_35 : vector<128x768xf32>
      %add3A_36 = arith.constant 1.000000e+00 : f32
      %add3A_37 = vector.broadcast %add3A_36 : f32 to vector<128x768xf32>
      %add3A_38 = arith.addf %add3A_37, %erf3A : vector<128x768xf32>
      %mul3A_39 = arith.mulf %mul3A_32, %add3A_38 : vector<128x768xf32>
      %convert_element_type3A_40 = arith.truncf %mul3A_39 : vector<128x768xf32> to vector<128x768xbf16>
      %get3A_41 = arith.constant 0 : index
      %get3A_42 = arith.constant 0 : index
      %get3A_43 = arith.constant 0 : index
      %get3A_44 = vector.load %arg5[%get3A_41, %get3A_42, %get3A_43] : memref<1x768x768xbf16, #tpu.memory_space<vmem>>, vector<1x768x768xbf16>
      %get3A_45 = vector.shape_cast %get3A_44 : vector<1x768x768xbf16> to vector<768x768xbf16>
      %dot_general3A_46 = arith.constant dense<0.000000e+00> : vector<128x768xf32>
      %dot_general3A_47 = tpu.matmul %convert_element_type3A_40, %get3A_45, %dot_general3A_46 {dimension_numbers = #tpu.dot_dimension_numbers<[1], [1], [0], [0], [0, 0, 1, 0], [], []>, transpose_lhs_hint = false} : vector<128x768xbf16>, vector<768x768xbf16>, vector<128x768xf32> -> vector<128x768xf32>
      %iota3A = tpu.iota {dimensions = array<i32: 0>} : vector<128x1xi32>
      %sub3A_48 = arith.subi %get3A_0, %multiple_of3A : i32
      %ge3A = vector.broadcast %sub3A_48 : i32 to vector<128x1xi32>
      %ge3A_49 = arith.cmpi sge, %iota3A, %ge3A : vector<128x1xi32>
      %sub3A_50 = arith.subi %get3A_2, %multiple_of3A : i32
      %lt3A = vector.broadcast %sub3A_50 : i32 to vector<128x1xi32>
      %lt3A_51 = arith.cmpi slt, %iota3A, %lt3A : vector<128x1xi32>
      %and3A = arith.andi %ge3A_49, %lt3A_51 : vector<128x1xi1>
      %jit3A_52 = arith.constant 0.000000e+00 : f32
      %broadcast_in_dim3A = vector.shape_cast %and3A : vector<128x1xi1> to vector<128x1xi1>
      %broadcast_in_dim3A_53 = vector.broadcast %broadcast_in_dim3A : vector<128x1xi1> to vector<128x768xi1>
      %broadcast_in_dim3A_54 = vector.broadcast %jit3A_52 : f32 to vector<128x768xf32>
      %select_n3A_55 = arith.select %broadcast_in_dim3A_53, %dot_general3A_47, %broadcast_in_dim3A_54 : vector<128x768xi1>, vector<128x768xf32>
      %ge3A_56 = arith.cmpi sge, %multiple_of3A, %get3A_0 : i32
      %convert_element_type3A_57 = arith.extui %ge3A_56 : i1 to i32
      %cond3A = arith.constant 0 : i32
      %cond3A_58 = arith.cmpi ne, %convert_element_type3A_57, %cond3A : i32
      scf.if %cond3A_58 {
        %swap3A = arith.index_cast %multiple_of3A : i32 to index
        %swap3A_63 = arith.constant 0 : index
        %swap3A_64 = vector.load %arg6[%swap3A, %swap3A_63] : memref<2048x768xf32, #tpu.memory_space<vmem>>, vector<128x768xf32>
        tpu.vector_store %arg6[%swap3A, %swap3A_63], %select_n3A_55 {strides = array<i32>} : memref<2048x768xf32, #tpu.memory_space<vmem>>, vector<128x768xf32>,
      } else {
      }
      %lt3A_59 = arith.cmpi slt, %multiple_of3A, %get3A_0 : i32
      %convert_element_type3A_60 = arith.extui %lt3A_59 : i1 to i32
      %cond3A_61 = arith.constant 0 : i32
      %cond3A_62 = arith.cmpi ne, %convert_element_type3A_60, %cond3A_61 : i32
      scf.if %cond3A_62 {
        %get3A_63 = arith.index_cast %multiple_of3A : i32 to index
        %get3A_64 = arith.constant 0 : index
        %get3A_65 = vector.load %arg6[%get3A_63, %get3A_64] : memref<2048x768xf32, #tpu.memory_space<vmem>>, vector<128x768xf32>
        %add3A_66 = arith.addf %get3A_65, %select_n3A_55 : vector<128x768xf32>
        %swap3A = arith.index_cast %multiple_of3A : i32 to index
        %swap3A_67 = arith.constant 0 : index
        %swap3A_68 = vector.load %arg6[%swap3A, %swap3A_67] : memref<2048x768xf32, #tpu.memory_space<vmem>>, vector<128x768xf32>
        tpu.vector_store %arg6[%swap3A, %swap3A_67], %add3A_66 {strides = array<i32>} : memref<2048x768xf32, #tpu.memory_space<vmem>>, vector<128x768xf32>,
      } else {
      }
    }
    return
  }
  func.func @transform_0(%arg0: i32, %arg1: memref<64xi32, #tpu.memory_space<smem>>, %arg2: memref<64xi32, #tpu.memory_space<smem>>) -> (i32, i32) {
    %c0_i32 = arith.constant 0 : i32
    %c0_i32_0 = arith.constant 0 : i32
    %c0_i32_1 = arith.constant 0 : i32
    return %c0_i32, %c0_i32_0 : i32, i32
  }
  func.func @transform_1(%arg0: i32, %arg1: memref<64xi32, #tpu.memory_space<smem>>, %arg2: memref<64xi32, #tpu.memory_space<smem>>) -> (i32, i32, i32) {
    %c0_i32 = arith.constant 0 : i32
    %c0_i32_0 = arith.constant 0 : i32
    %c0_i32_1 = arith.constant 0 : i32
    return %arg0, %c0_i32, %c0_i32_0 : i32, i32, i32
  }
  func.func @transform_2(%arg0: i32, %arg1: memref<64xi32, #tpu.memory_space<smem>>, %arg2: memref<64xi32, #tpu.memory_space<smem>>) -> (i32, i32, i32) {
    %c0_i32 = arith.constant 0 : i32
    %c0_i32_0 = arith.constant 0 : i32
    %c0_i32_1 = arith.constant 0 : i32
    return %arg0, %c0_i32, %c0_i32_0 : i32, i32, i32
  }
  func.func @transform_3(%arg0: i32, %arg1: memref<64xi32, #tpu.memory_space<smem>>, %arg2: memref<64xi32, #tpu.memory_space<smem>>) -> (i32, i32) {
    %c0_i32 = arith.constant 0 : i32
    %c0_i32_0 = arith.constant 0 : i32
    %c0_i32_1 = arith.constant 0 : i32
    return %c0_i32, %c0_i32_0 : i32, i32
  }
}

module attributes {stable_mosaic.version = 14 : i64} {
  func.func @_router_body(%arg0: memref<2048x768xf32, #tpu.memory_space<vmem>>, %arg1: memref<64x768xf32, #tpu.memory_space<vmem>>, %arg2: memref<1x64xf32, #tpu.memory_space<vmem>>, %arg3: memref<2048xi32, #tpu.memory_space<vmem>>, %arg4: memref<64xi32, #tpu.memory_space<vmem>>, %arg5: memref<64xi32, #tpu.memory_space<vmem>>, %arg6: memref<1x1xf32, #tpu.memory_space<smem>>) attributes {dimension_semantics = [], scalar_prefetch = 0 : i64, scratch_operands = 0 : i64, tpu.core_type = #tpu.core_type<tc>} {
    %get3A = arith.constant 0 : index
    %get3A_0 = arith.constant 0 : index
    %get3A_1 = vector.load %arg0[%get3A, %get3A_0] : memref<2048x768xf32, #tpu.memory_space<vmem>>, vector<2048x768xf32>
    %get3A_2 = arith.constant 0 : index
    %get3A_3 = arith.constant 0 : index
    %get3A_4 = vector.load %arg1[%get3A_2, %get3A_3] : memref<64x768xf32, #tpu.memory_space<vmem>>, vector<64x768xf32>
    %dot_general3A = arith.constant dense<0.000000e+00> : vector<2048x64xf32>
    %dot_general3A_5 = tpu.matmul %get3A_1, %get3A_4, %dot_general3A {dimension_numbers = #tpu.dot_dimension_numbers<[1], [1], [0], [0], [0, 0, 1, 0], [], []>, transpose_lhs_hint = false} : vector<2048x768xf32>, vector<64x768xf32>, vector<2048x64xf32> -> vector<2048x64xf32>
    %get3A_6 = arith.constant 0 : index
    %get3A_7 = arith.constant 0 : index
    %get3A_8 = vector.load %arg2[%get3A_6, %get3A_7] : memref<1x64xf32, #tpu.memory_space<vmem>>, vector<1x64xf32>
    %add3A = vector.broadcast %get3A_8 : vector<1x64xf32> to vector<2048x64xf32>
    %add3A_9 = arith.addf %dot_general3A_5, %add3A : vector<2048x64xf32>
    %reduce_max3A = arith.constant dense<0xFF800000> : vector<2048xf32>
    %reduce_max3A_10 = vector.multi_reduction <maximumf>, %add3A_9, %reduce_max3A [1] : vector<2048x64xf32> to vector<2048xf32>
    %broadcast_in_dim3A = vector.shape_cast %reduce_max3A_10 : vector<2048xf32> to vector<2048x1xf32>
    %sub3A = vector.broadcast %broadcast_in_dim3A : vector<2048x1xf32> to vector<2048x64xf32>
    %sub3A_11 = arith.subf %add3A_9, %sub3A : vector<2048x64xf32>
    %exp3A = math.exp %sub3A_11 : vector<2048x64xf32>
    %reduce_sum3A = arith.constant dense<0.000000e+00> : vector<2048xf32>
    %reduce_sum3A_12 = vector.multi_reduction <add>, %exp3A, %reduce_sum3A [1] : vector<2048x64xf32> to vector<2048xf32>
    %broadcast_in_dim3A_13 = vector.shape_cast %reduce_sum3A_12 : vector<2048xf32> to vector<2048x1xf32>
    %log3A = math.log %broadcast_in_dim3A_13 : vector<2048x1xf32>
    %add3A_14 = arith.addf %log3A, %broadcast_in_dim3A : vector<2048x1xf32>
    %reduce_sum3A_15 = vector.shape_cast %add3A_9 : vector<2048x64xf32> to vector<1x2048x64xf32>
    %reduce_sum3A_16 = arith.constant dense<0.000000e+00> : vector<1xf32>
    %reduce_sum3A_17 = vector.multi_reduction <add>, %reduce_sum3A_15, %reduce_sum3A_16 [1, 2] : vector<1x2048x64xf32> to vector<1xf32>
    %reduce_sum3A_18 = vector.shape_cast %reduce_sum3A_17 : vector<1xf32> to vector<1x1x1xf32>
    %reduce_sum3A_19 = vector.extract %reduce_sum3A_18[0, 0, 0] : f32 from vector<1x1x1xf32>
    %div3A = arith.constant 1.310720e+05 : f32
    %div3A_20 = arith.divf %reduce_sum3A_19, %div3A : f32
    %reduce_sum3A_21 = vector.shape_cast %add3A_14 : vector<2048x1xf32> to vector<1x2048x1xf32>
    %reduce_sum3A_22 = arith.constant dense<0.000000e+00> : vector<1xf32>
    %reduce_sum3A_23 = vector.multi_reduction <add>, %reduce_sum3A_21, %reduce_sum3A_22 [1, 2] : vector<1x2048x1xf32> to vector<1xf32>
    %reduce_sum3A_24 = vector.shape_cast %reduce_sum3A_23 : vector<1xf32> to vector<1x1x1xf32>
    %reduce_sum3A_25 = vector.extract %reduce_sum3A_24[0, 0, 0] : f32 from vector<1x1x1xf32>
    %div3A_26 = arith.constant 2.048000e+03 : f32
    %div3A_27 = arith.divf %reduce_sum3A_25, %div3A_26 : f32
    %sub3A_28 = arith.subf %div3A_20, %div3A_27 : f32
    %log3A_29 = arith.constant 1.562500e-02 : f32
    %log3A_30 = math.log %log3A_29 : f32
    %sub3A_31 = arith.subf %log3A_30, %sub3A_28 : f32
    %mul3A = arith.constant 1.562500e-04 : f32
    %mul3A_32 = arith.mulf %mul3A, %sub3A_31 : f32
    %swap3A = arith.constant 0 : index
    %swap3A_33 = arith.constant 0 : index
    %swap3A_34 = memref.load %arg6[%swap3A, %swap3A_33] : memref<1x1xf32, #tpu.memory_space<smem>>
    memref.store %mul3A_32, %arg6[%swap3A, %swap3A_33] : memref<1x1xf32, #tpu.memory_space<smem>>
    %iota3A = tpu.iota {dimensions = array<i32: 0>} : vector<64x64xi32>
    %iota3A_35 = tpu.iota {dimensions = array<i32: 1>} : vector<64x64xi32>
    %lt3A = arith.cmpi slt, %iota3A, %iota3A_35 : vector<64x64xi32>
    %convert_element_type3A = arith.extui %lt3A : vector<64x64xi1> to vector<64x64xi32>
    %convert_element_type3A_36 = arith.sitofp %convert_element_type3A : vector<64x64xi32> to vector<64x64xf32>
    %eq3A = vector.broadcast %broadcast_in_dim3A : vector<2048x1xf32> to vector<2048x64xf32>
    %eq3A_37 = arith.cmpf oeq, %add3A_9, %eq3A : vector<2048x64xf32>
    %convert_element_type3A_38 = arith.extui %eq3A_37 : vector<2048x64xi1> to vector<2048x64xi32>
    %convert_element_type3A_39 = arith.sitofp %convert_element_type3A_38 : vector<2048x64xi32> to vector<2048x64xf32>
    %dot_general3A_40 = arith.constant dense<0.000000e+00> : vector<2048x64xf32>
    %dot_general3A_41 = tpu.matmul %convert_element_type3A_39, %convert_element_type3A_36, %dot_general3A_40 {dimension_numbers = #tpu.dot_dimension_numbers<[1], [0], [0], [1], [0, 0, 1, 1], [], []>, transpose_lhs_hint = false} : vector<2048x64xf32>, vector<64x64xf32>, vector<2048x64xf32> -> vector<2048x64xf32>
    %eq3A_42 = arith.constant 0.000000e+00 : f32
    %eq3A_43 = vector.broadcast %eq3A_42 : f32 to vector<2048x64xf32>
    %eq3A_44 = arith.cmpf oeq, %dot_general3A_41, %eq3A_43 : vector<2048x64xf32>
    %convert_element_type3A_45 = arith.extui %eq3A_44 : vector<2048x64xi1> to vector<2048x64xi32>
    %convert_element_type3A_46 = arith.sitofp %convert_element_type3A_45 : vector<2048x64xi32> to vector<2048x64xf32>
    %mul3A_47 = arith.mulf %convert_element_type3A_39, %convert_element_type3A_46 : vector<2048x64xf32>
    %iota3A_48 = tpu.iota {dimensions = array<i32: 0>} : vector<128x128xi32>
    %iota3A_49 = tpu.iota {dimensions = array<i32: 1>} : vector<128x128xi32>
    %gt3A = arith.cmpi sgt, %iota3A_48, %iota3A_49 : vector<128x128xi32>
    %convert_element_type3A_50 = arith.extui %gt3A : vector<128x128xi1> to vector<128x128xi32>
    %convert_element_type3A_51 = arith.sitofp %convert_element_type3A_50 : vector<128x128xi32> to vector<128x128xf32>
    %broadcast_in_dim3A_52 = arith.constant 0.000000e+00 : f32
    %broadcast_in_dim3A_53 = vector.broadcast %broadcast_in_dim3A_52 : f32 to vector<1x64xf32>
    %slice3A = vector.extract_strided_slice %mul3A_47 {offsets = [0, 0], sizes = [128, 64], strides = [1, 1]} : vector<2048x64xf32> to vector<128x64xf32>
    %dot_general3A_54 = arith.constant dense<0.000000e+00> : vector<128x64xf32>
    %dot_general3A_55 = tpu.matmul %convert_element_type3A_51, %slice3A, %dot_general3A_54 {dimension_numbers = #tpu.dot_dimension_numbers<[1], [0], [0], [1], [0, 0, 1, 1], [], []>, transpose_lhs_hint = false} : vector<128x128xf32>, vector<128x64xf32>, vector<128x64xf32> -> vector<128x64xf32>
    %add3A_56 = vector.broadcast %broadcast_in_dim3A_53 : vector<1x64xf32> to vector<128x64xf32>
    %add3A_57 = arith.addf %dot_general3A_55, %add3A_56 : vector<128x64xf32>
    %reduce_sum3A_58 = arith.constant dense<0.000000e+00> : vector<64xf32>
    %reduce_sum3A_59 = vector.multi_reduction <add>, %slice3A, %reduce_sum3A_58 [0] : vector<128x64xf32> to vector<64xf32>
    %broadcast_in_dim3A_60 = vector.shape_cast %reduce_sum3A_59 : vector<64xf32> to vector<1x64xf32>
    %add3A_61 = arith.addf %broadcast_in_dim3A_53, %broadcast_in_dim3A_60 : vector<1x64xf32>
    %slice3A_62 = vector.extract_strided_slice %mul3A_47 {offsets = [128, 0], sizes = [128, 64], strides = [1, 1]} : vector<2048x64xf32> to vector<128x64xf32>
    %dot_general3A_63 = arith.constant dense<0.000000e+00> : vector<128x64xf32>
    %dot_general3A_64 = tpu.matmul %convert_element_type3A_51, %slice3A_62, %dot_general3A_63 {dimension_numbers = #tpu.dot_dimension_numbers<[1], [0], [0], [1], [0, 0, 1, 1], [], []>, transpose_lhs_hint = false} : vector<128x128xf32>, vector<128x64xf32>, vector<128x64xf32> -> vector<128x64xf32>
    %add3A_65 = vector.broadcast %add3A_61 : vector<1x64xf32> to vector<128x64xf32>
    %add3A_66 = arith.addf %dot_general3A_64, %add3A_65 : vector<128x64xf32>
    %reduce_sum3A_67 = arith.constant dense<0.000000e+00> : vector<64xf32>
    %reduce_sum3A_68 = vector.multi_reduction <add>, %slice3A_62, %reduce_sum3A_67 [0] : vector<128x64xf32> to vector<64xf32>
    %broadcast_in_dim3A_69 = vector.shape_cast %reduce_sum3A_68 : vector<64xf32> to vector<1x64xf32>
    %add3A_70 = arith.addf %add3A_61, %broadcast_in_dim3A_69 : vector<1x64xf32>
    %slice3A_71 = vector.extract_strided_slice %mul3A_47 {offsets = [256, 0], sizes = [128, 64], strides = [1, 1]} : vector<2048x64xf32> to vector<128x64xf32>
    %dot_general3A_72 = arith.constant dense<0.000000e+00> : vector<128x64xf32>
    %dot_general3A_73 = tpu.matmul %convert_element_type3A_51, %slice3A_71, %dot_general3A_72 {dimension_numbers = #tpu.dot_dimension_numbers<[1], [0], [0], [1], [0, 0, 1, 1], [], []>, transpose_lhs_hint = false} : vector<128x128xf32>, vector<128x64xf32>, vector<128x64xf32> -> vector<128x64xf32>
    %add3A_74 = vector.broadcast %add3A_70 : vector<1x64xf32> to vector<128x64xf32>
    %add3A_75 = arith.addf %dot_general3A_73, %add3A_74 : vector<128x64xf32>
    %reduce_sum3A_76 = arith.constant dense<0.000000e+00> : vector<64xf32>
    %reduce_sum3A_77 = vector.multi_reduction <add>, %slice3A_71, %reduce_sum3A_76 [0] : vector<128x64xf32> to vector<64xf32>
    %broadcast_in_dim3A_78 = vector.shape_cast %reduce_sum3A_77 : vector<64xf32> to vector<1x64xf32>
    %add3A_79 = arith.addf %add3A_70, %broadcast_in_dim3A_78 : vector<1x64xf32>
    %slice3A_80 = vector.extract_strided_slice %mul3A_47 {offsets = [384, 0], sizes = [128, 64], strides = [1, 1]} : vector<2048x64xf32> to vector<128x64xf32>
    %dot_general3A_81 = arith.constant dense<0.000000e+00> : vector<128x64xf32>
    %dot_general3A_82 = tpu.matmul %convert_element_type3A_51, %slice3A_80, %dot_general3A_81 {dimension_numbers = #tpu.dot_dimension_numbers<[1], [0], [0], [1], [0, 0, 1, 1], [], []>, transpose_lhs_hint = false} : vector<128x128xf32>, vector<128x64xf32>, vector<128x64xf32> -> vector<128x64xf32>
    %add3A_83 = vector.broadcast %add3A_79 : vector<1x64xf32> to vector<128x64xf32>
    %add3A_84 = arith.addf %dot_general3A_82, %add3A_83 : vector<128x64xf32>
    %reduce_sum3A_85 = arith.constant dense<0.000000e+00> : vector<64xf32>
    %reduce_sum3A_86 = vector.multi_reduction <add>, %slice3A_80, %reduce_sum3A_85 [0] : vector<128x64xf32> to vector<64xf32>
    %broadcast_in_dim3A_87 = vector.shape_cast %reduce_sum3A_86 : vector<64xf32> to vector<1x64xf32>
    %add3A_88 = arith.addf %add3A_79, %broadcast_in_dim3A_87 : vector<1x64xf32>
    %slice3A_89 = vector.extract_strided_slice %mul3A_47 {offsets = [512, 0], sizes = [128, 64], strides = [1, 1]} : vector<2048x64xf32> to vector<128x64xf32>
    %dot_general3A_90 = arith.constant dense<0.000000e+00> : vector<128x64xf32>
    %dot_general3A_91 = tpu.matmul %convert_element_type3A_51, %slice3A_89, %dot_general3A_90 {dimension_numbers = #tpu.dot_dimension_numbers<[1], [0], [0], [1], [0, 0, 1, 1], [], []>, transpose_lhs_hint = false} : vector<128x128xf32>, vector<128x64xf32>, vector<128x64xf32> -> vector<128x64xf32>
    %add3A_92 = vector.broadcast %add3A_88 : vector<1x64xf32> to vector<128x64xf32>
    %add3A_93 = arith.addf %dot_general3A_91, %add3A_92 : vector<128x64xf32>
    %reduce_sum3A_94 = arith.constant dense<0.000000e+00> : vector<64xf32>
    %reduce_sum3A_95 = vector.multi_reduction <add>, %slice3A_89, %reduce_sum3A_94 [0] : vector<128x64xf32> to vector<64xf32>
    %broadcast_in_dim3A_96 = vector.shape_cast %reduce_sum3A_95 : vector<64xf32> to vector<1x64xf32>
    %add3A_97 = arith.addf %add3A_88, %broadcast_in_dim3A_96 : vector<1x64xf32>
    %slice3A_98 = vector.extract_strided_slice %mul3A_47 {offsets = [640, 0], sizes = [128, 64], strides = [1, 1]} : vector<2048x64xf32> to vector<128x64xf32>
    %dot_general3A_99 = arith.constant dense<0.000000e+00> : vector<128x64xf32>
    %dot_general3A_100 = tpu.matmul %convert_element_type3A_51, %slice3A_98, %dot_general3A_99 {dimension_numbers = #tpu.dot_dimension_numbers<[1], [0], [0], [1], [0, 0, 1, 1], [], []>, transpose_lhs_hint = false} : vector<128x128xf32>, vector<128x64xf32>, vector<128x64xf32> -> vector<128x64xf32>
    %add3A_101 = vector.broadcast %add3A_97 : vector<1x64xf32> to vector<128x64xf32>
    %add3A_102 = arith.addf %dot_general3A_100, %add3A_101 : vector<128x64xf32>
    %reduce_sum3A_103 = arith.constant dense<0.000000e+00> : vector<64xf32>
    %reduce_sum3A_104 = vector.multi_reduction <add>, %slice3A_98, %reduce_sum3A_103 [0] : vector<128x64xf32> to vector<64xf32>
    %broadcast_in_dim3A_105 = vector.shape_cast %reduce_sum3A_104 : vector<64xf32> to vector<1x64xf32>
    %add3A_106 = arith.addf %add3A_97, %broadcast_in_dim3A_105 : vector<1x64xf32>
    %slice3A_107 = vector.extract_strided_slice %mul3A_47 {offsets = [768, 0], sizes = [128, 64], strides = [1, 1]} : vector<2048x64xf32> to vector<128x64xf32>
    %dot_general3A_108 = arith.constant dense<0.000000e+00> : vector<128x64xf32>
    %dot_general3A_109 = tpu.matmul %convert_element_type3A_51, %slice3A_107, %dot_general3A_108 {dimension_numbers = #tpu.dot_dimension_numbers<[1], [0], [0], [1], [0, 0, 1, 1], [], []>, transpose_lhs_hint = false} : vector<128x128xf32>, vector<128x64xf32>, vector<128x64xf32> -> vector<128x64xf32>
    %add3A_110 = vector.broadcast %add3A_106 : vector<1x64xf32> to vector<128x64xf32>
    %add3A_111 = arith.addf %dot_general3A_109, %add3A_110 : vector<128x64xf32>
    %reduce_sum3A_112 = arith.constant dense<0.000000e+00> : vector<64xf32>
    %reduce_sum3A_113 = vector.multi_reduction <add>, %slice3A_107, %reduce_sum3A_112 [0] : vector<128x64xf32> to vector<64xf32>
    %broadcast_in_dim3A_114 = vector.shape_cast %reduce_sum3A_113 : vector<64xf32> to vector<1x64xf32>
    %add3A_115 = arith.addf %add3A_106, %broadcast_in_dim3A_114 : vector<1x64xf32>
    %slice3A_116 = vector.extract_strided_slice %mul3A_47 {offsets = [896, 0], sizes = [128, 64], strides = [1, 1]} : vector<2048x64xf32> to vector<128x64xf32>
    %dot_general3A_117 = arith.constant dense<0.000000e+00> : vector<128x64xf32>
    %dot_general3A_118 = tpu.matmul %convert_element_type3A_51, %slice3A_116, %dot_general3A_117 {dimension_numbers = #tpu.dot_dimension_numbers<[1], [0], [0], [1], [0, 0, 1, 1], [], []>, transpose_lhs_hint = false} : vector<128x128xf32>, vector<128x64xf32>, vector<128x64xf32> -> vector<128x64xf32>
    %add3A_119 = vector.broadcast %add3A_115 : vector<1x64xf32> to vector<128x64xf32>
    %add3A_120 = arith.addf %dot_general3A_118, %add3A_119 : vector<128x64xf32>
    %reduce_sum3A_121 = arith.constant dense<0.000000e+00> : vector<64xf32>
    %reduce_sum3A_122 = vector.multi_reduction <add>, %slice3A_116, %reduce_sum3A_121 [0] : vector<128x64xf32> to vector<64xf32>
    %broadcast_in_dim3A_123 = vector.shape_cast %reduce_sum3A_122 : vector<64xf32> to vector<1x64xf32>
    %add3A_124 = arith.addf %add3A_115, %broadcast_in_dim3A_123 : vector<1x64xf32>
    %slice3A_125 = vector.extract_strided_slice %mul3A_47 {offsets = [1024, 0], sizes = [128, 64], strides = [1, 1]} : vector<2048x64xf32> to vector<128x64xf32>
    %dot_general3A_126 = arith.constant dense<0.000000e+00> : vector<128x64xf32>
    %dot_general3A_127 = tpu.matmul %convert_element_type3A_51, %slice3A_125, %dot_general3A_126 {dimension_numbers = #tpu.dot_dimension_numbers<[1], [0], [0], [1], [0, 0, 1, 1], [], []>, transpose_lhs_hint = false} : vector<128x128xf32>, vector<128x64xf32>, vector<128x64xf32> -> vector<128x64xf32>
    %add3A_128 = vector.broadcast %add3A_124 : vector<1x64xf32> to vector<128x64xf32>
    %add3A_129 = arith.addf %dot_general3A_127, %add3A_128 : vector<128x64xf32>
    %reduce_sum3A_130 = arith.constant dense<0.000000e+00> : vector<64xf32>
    %reduce_sum3A_131 = vector.multi_reduction <add>, %slice3A_125, %reduce_sum3A_130 [0] : vector<128x64xf32> to vector<64xf32>
    %broadcast_in_dim3A_132 = vector.shape_cast %reduce_sum3A_131 : vector<64xf32> to vector<1x64xf32>
    %add3A_133 = arith.addf %add3A_124, %broadcast_in_dim3A_132 : vector<1x64xf32>
    %slice3A_134 = vector.extract_strided_slice %mul3A_47 {offsets = [1152, 0], sizes = [128, 64], strides = [1, 1]} : vector<2048x64xf32> to vector<128x64xf32>
    %dot_general3A_135 = arith.constant dense<0.000000e+00> : vector<128x64xf32>
    %dot_general3A_136 = tpu.matmul %convert_element_type3A_51, %slice3A_134, %dot_general3A_135 {dimension_numbers = #tpu.dot_dimension_numbers<[1], [0], [0], [1], [0, 0, 1, 1], [], []>, transpose_lhs_hint = false} : vector<128x128xf32>, vector<128x64xf32>, vector<128x64xf32> -> vector<128x64xf32>
    %add3A_137 = vector.broadcast %add3A_133 : vector<1x64xf32> to vector<128x64xf32>
    %add3A_138 = arith.addf %dot_general3A_136, %add3A_137 : vector<128x64xf32>
    %reduce_sum3A_139 = arith.constant dense<0.000000e+00> : vector<64xf32>
    %reduce_sum3A_140 = vector.multi_reduction <add>, %slice3A_134, %reduce_sum3A_139 [0] : vector<128x64xf32> to vector<64xf32>
    %broadcast_in_dim3A_141 = vector.shape_cast %reduce_sum3A_140 : vector<64xf32> to vector<1x64xf32>
    %add3A_142 = arith.addf %add3A_133, %broadcast_in_dim3A_141 : vector<1x64xf32>
    %slice3A_143 = vector.extract_strided_slice %mul3A_47 {offsets = [1280, 0], sizes = [128, 64], strides = [1, 1]} : vector<2048x64xf32> to vector<128x64xf32>
    %dot_general3A_144 = arith.constant dense<0.000000e+00> : vector<128x64xf32>
    %dot_general3A_145 = tpu.matmul %convert_element_type3A_51, %slice3A_143, %dot_general3A_144 {dimension_numbers = #tpu.dot_dimension_numbers<[1], [0], [0], [1], [0, 0, 1, 1], [], []>, transpose_lhs_hint = false} : vector<128x128xf32>, vector<128x64xf32>, vector<128x64xf32> -> vector<128x64xf32>
    %add3A_146 = vector.broadcast %add3A_142 : vector<1x64xf32> to vector<128x64xf32>
    %add3A_147 = arith.addf %dot_general3A_145, %add3A_146 : vector<128x64xf32>
    %reduce_sum3A_148 = arith.constant dense<0.000000e+00> : vector<64xf32>
    %reduce_sum3A_149 = vector.multi_reduction <add>, %slice3A_143, %reduce_sum3A_148 [0] : vector<128x64xf32> to vector<64xf32>
    %broadcast_in_dim3A_150 = vector.shape_cast %reduce_sum3A_149 : vector<64xf32> to vector<1x64xf32>
    %add3A_151 = arith.addf %add3A_142, %broadcast_in_dim3A_150 : vector<1x64xf32>
    %slice3A_152 = vector.extract_strided_slice %mul3A_47 {offsets = [1408, 0], sizes = [128, 64], strides = [1, 1]} : vector<2048x64xf32> to vector<128x64xf32>
    %dot_general3A_153 = arith.constant dense<0.000000e+00> : vector<128x64xf32>
    %dot_general3A_154 = tpu.matmul %convert_element_type3A_51, %slice3A_152, %dot_general3A_153 {dimension_numbers = #tpu.dot_dimension_numbers<[1], [0], [0], [1], [0, 0, 1, 1], [], []>, transpose_lhs_hint = false} : vector<128x128xf32>, vector<128x64xf32>, vector<128x64xf32> -> vector<128x64xf32>
    %add3A_155 = vector.broadcast %add3A_151 : vector<1x64xf32> to vector<128x64xf32>
    %add3A_156 = arith.addf %dot_general3A_154, %add3A_155 : vector<128x64xf32>
    %reduce_sum3A_157 = arith.constant dense<0.000000e+00> : vector<64xf32>
    %reduce_sum3A_158 = vector.multi_reduction <add>, %slice3A_152, %reduce_sum3A_157 [0] : vector<128x64xf32> to vector<64xf32>
    %broadcast_in_dim3A_159 = vector.shape_cast %reduce_sum3A_158 : vector<64xf32> to vector<1x64xf32>
    %add3A_160 = arith.addf %add3A_151, %broadcast_in_dim3A_159 : vector<1x64xf32>
    %slice3A_161 = vector.extract_strided_slice %mul3A_47 {offsets = [1536, 0], sizes = [128, 64], strides = [1, 1]} : vector<2048x64xf32> to vector<128x64xf32>
    %dot_general3A_162 = arith.constant dense<0.000000e+00> : vector<128x64xf32>
    %dot_general3A_163 = tpu.matmul %convert_element_type3A_51, %slice3A_161, %dot_general3A_162 {dimension_numbers = #tpu.dot_dimension_numbers<[1], [0], [0], [1], [0, 0, 1, 1], [], []>, transpose_lhs_hint = false} : vector<128x128xf32>, vector<128x64xf32>, vector<128x64xf32> -> vector<128x64xf32>
    %add3A_164 = vector.broadcast %add3A_160 : vector<1x64xf32> to vector<128x64xf32>
    %add3A_165 = arith.addf %dot_general3A_163, %add3A_164 : vector<128x64xf32>
    %reduce_sum3A_166 = arith.constant dense<0.000000e+00> : vector<64xf32>
    %reduce_sum3A_167 = vector.multi_reduction <add>, %slice3A_161, %reduce_sum3A_166 [0] : vector<128x64xf32> to vector<64xf32>
    %broadcast_in_dim3A_168 = vector.shape_cast %reduce_sum3A_167 : vector<64xf32> to vector<1x64xf32>
    %add3A_169 = arith.addf %add3A_160, %broadcast_in_dim3A_168 : vector<1x64xf32>
    %slice3A_170 = vector.extract_strided_slice %mul3A_47 {offsets = [1664, 0], sizes = [128, 64], strides = [1, 1]} : vector<2048x64xf32> to vector<128x64xf32>
    %dot_general3A_171 = arith.constant dense<0.000000e+00> : vector<128x64xf32>
    %dot_general3A_172 = tpu.matmul %convert_element_type3A_51, %slice3A_170, %dot_general3A_171 {dimension_numbers = #tpu.dot_dimension_numbers<[1], [0], [0], [1], [0, 0, 1, 1], [], []>, transpose_lhs_hint = false} : vector<128x128xf32>, vector<128x64xf32>, vector<128x64xf32> -> vector<128x64xf32>
    %add3A_173 = vector.broadcast %add3A_169 : vector<1x64xf32> to vector<128x64xf32>
    %add3A_174 = arith.addf %dot_general3A_172, %add3A_173 : vector<128x64xf32>
    %reduce_sum3A_175 = arith.constant dense<0.000000e+00> : vector<64xf32>
    %reduce_sum3A_176 = vector.multi_reduction <add>, %slice3A_170, %reduce_sum3A_175 [0] : vector<128x64xf32> to vector<64xf32>
    %broadcast_in_dim3A_177 = vector.shape_cast %reduce_sum3A_176 : vector<64xf32> to vector<1x64xf32>
    %add3A_178 = arith.addf %add3A_169, %broadcast_in_dim3A_177 : vector<1x64xf32>
    %slice3A_179 = vector.extract_strided_slice %mul3A_47 {offsets = [1792, 0], sizes = [128, 64], strides = [1, 1]} : vector<2048x64xf32> to vector<128x64xf32>
    %dot_general3A_180 = arith.constant dense<0.000000e+00> : vector<128x64xf32>
    %dot_general3A_181 = tpu.matmul %convert_element_type3A_51, %slice3A_179, %dot_general3A_180 {dimension_numbers = #tpu.dot_dimension_numbers<[1], [0], [0], [1], [0, 0, 1, 1], [], []>, transpose_lhs_hint = false} : vector<128x128xf32>, vector<128x64xf32>, vector<128x64xf32> -> vector<128x64xf32>
    %add3A_182 = vector.broadcast %add3A_178 : vector<1x64xf32> to vector<128x64xf32>
    %add3A_183 = arith.addf %dot_general3A_181, %add3A_182 : vector<128x64xf32>
    %reduce_sum3A_184 = arith.constant dense<0.000000e+00> : vector<64xf32>
    %reduce_sum3A_185 = vector.multi_reduction <add>, %slice3A_179, %reduce_sum3A_184 [0] : vector<128x64xf32> to vector<64xf32>
    %broadcast_in_dim3A_186 = vector.shape_cast %reduce_sum3A_185 : vector<64xf32> to vector<1x64xf32>
    %add3A_187 = arith.addf %add3A_178, %broadcast_in_dim3A_186 : vector<1x64xf32>
    %slice3A_188 = vector.extract_strided_slice %mul3A_47 {offsets = [1920, 0], sizes = [128, 64], strides = [1, 1]} : vector<2048x64xf32> to vector<128x64xf32>
    %dot_general3A_189 = arith.constant dense<0.000000e+00> : vector<128x64xf32>
    %dot_general3A_190 = tpu.matmul %convert_element_type3A_51, %slice3A_188, %dot_general3A_189 {dimension_numbers = #tpu.dot_dimension_numbers<[1], [0], [0], [1], [0, 0, 1, 1], [], []>, transpose_lhs_hint = false} : vector<128x128xf32>, vector<128x64xf32>, vector<128x64xf32> -> vector<128x64xf32>
    %add3A_191 = vector.broadcast %add3A_187 : vector<1x64xf32> to vector<128x64xf32>
    %add3A_192 = arith.addf %dot_general3A_190, %add3A_191 : vector<128x64xf32>
    %reduce_sum3A_193 = arith.constant dense<0.000000e+00> : vector<64xf32>
    %reduce_sum3A_194 = vector.multi_reduction <add>, %slice3A_188, %reduce_sum3A_193 [0] : vector<128x64xf32> to vector<64xf32>
    %broadcast_in_dim3A_195 = vector.shape_cast %reduce_sum3A_194 : vector<64xf32> to vector<1x64xf32>
    %add3A_196 = arith.addf %add3A_187, %broadcast_in_dim3A_195 : vector<1x64xf32>
    %concatenate3A = tpu.concatenate %add3A_57, %add3A_66, %add3A_75, %add3A_84, %add3A_93, %add3A_102, %add3A_111, %add3A_120, %add3A_129, %add3A_138, %add3A_147, %add3A_156, %add3A_165, %add3A_174, %add3A_183, %add3A_192 in 0 : vector<128x64xf32>, vector<128x64xf32>, vector<128x64xf32>, vector<128x64xf32>, vector<128x64xf32>, vector<128x64xf32>, vector<128x64xf32>, vector<128x64xf32>, vector<128x64xf32>, vector<128x64xf32>, vector<128x64xf32>, vector<128x64xf32>, vector<128x64xf32>, vector<128x64xf32>, vector<128x64xf32>, vector<128x64xf32> -> vector<2048x64xf32>
    %dot_general3A_197 = arith.constant dense<0.000000e+00> : vector<1x64xf32>
    %dot_general3A_198 = tpu.matmul %add3A_196, %convert_element_type3A_36, %dot_general3A_197 {dimension_numbers = #tpu.dot_dimension_numbers<[1], [0], [0], [1], [0, 0, 1, 1], [], []>, transpose_lhs_hint = false} : vector<1x64xf32>, vector<64x64xf32>, vector<1x64xf32> -> vector<1x64xf32>
    %mul3A_199 = arith.mulf %concatenate3A, %mul3A_47 : vector<2048x64xf32>
    %reduce_sum3A_200 = arith.constant dense<0.000000e+00> : vector<2048xf32>
    %reduce_sum3A_201 = vector.multi_reduction <add>, %mul3A_199, %reduce_sum3A_200 [1] : vector<2048x64xf32> to vector<2048xf32>
    %mul3A_202 = vector.broadcast %dot_general3A_198 : vector<1x64xf32> to vector<2048x64xf32>
    %mul3A_203 = arith.mulf %mul3A_47, %mul3A_202 : vector<2048x64xf32>
    %reduce_sum3A_204 = arith.constant dense<0.000000e+00> : vector<2048xf32>
    %reduce_sum3A_205 = vector.multi_reduction <add>, %mul3A_203, %reduce_sum3A_204 [1] : vector<2048x64xf32> to vector<2048xf32>
    %add3A_206 = arith.addf %reduce_sum3A_205, %reduce_sum3A_201 : vector<2048xf32>
    %convert_element_type3A_207 = arith.fptosi %add3A_206 : vector<2048xf32> to vector<2048xi32>
    %swap3A_208 = arith.constant 0 : index
    %swap3A_209 = vector.load %arg3[%swap3A_208] : memref<2048xi32, #tpu.memory_space<vmem>>, vector<2048xi32>
    tpu.vector_store %arg3[%swap3A_208], %convert_element_type3A_207 {strides = array<i32>} : memref<2048xi32, #tpu.memory_space<vmem>>, vector<2048xi32>,
    %squeeze3A = vector.shape_cast %dot_general3A_198 : vector<1x64xf32> to vector<64xf32>
    %convert_element_type3A_210 = arith.fptosi %squeeze3A : vector<64xf32> to vector<64xi32>
    %swap3A_211 = arith.constant 0 : index
    %swap3A_212 = vector.load %arg4[%swap3A_211] : memref<64xi32, #tpu.memory_space<vmem>>, vector<64xi32>
    tpu.vector_store %arg4[%swap3A_211], %convert_element_type3A_210 {strides = array<i32>} : memref<64xi32, #tpu.memory_space<vmem>>, vector<64xi32>,
    %squeeze3A_213 = vector.shape_cast %dot_general3A_198 : vector<1x64xf32> to vector<64xf32>
    %squeeze3A_214 = vector.shape_cast %add3A_196 : vector<1x64xf32> to vector<64xf32>
    %add3A_215 = arith.addf %squeeze3A_213, %squeeze3A_214 : vector<64xf32>
    %convert_element_type3A_216 = arith.fptosi %add3A_215 : vector<64xf32> to vector<64xi32>
    %swap3A_217 = arith.constant 0 : index
    %swap3A_218 = vector.load %arg5[%swap3A_217] : memref<64xi32, #tpu.memory_space<vmem>>, vector<64xi32>
    tpu.vector_store %arg5[%swap3A_217], %convert_element_type3A_216 {strides = array<i32>} : memref<64xi32, #tpu.memory_space<vmem>>, vector<64xi32>,
    return
  }
}

</mosaic_0001>

<sc_bundles>
// kernel: kernel.6.cloned.1.call-start
scs
__scs_entry_jumppad:
0x0: {  	(pc) =	sbr.rel $0x88, $3  }
0x1: {  	(tag) =	ssettag $0x0;
	lr =	simm.s32 $0x1  }
0x2: {  	[smem:$0x3F9C] =	sst lr;
	_ =	strace $0xD0000000  }
0x3: {  	_ = 	snop  }
0x4: {  	_ = 	snop  }
0x5: {  	_ = 	snop  }
0x6: {  	_ = 	snop  }
0x7: {  	_ = 	snop  }
__scs_overlays_trampoline_lowered:
0x8: {  	[smem:$0x3FAB] =	sst s0  }
0x9: {  	[smem:$0x3FAC] =	sst s1  }
0xa: {  	[smem:$0x3FAD] =	sst s2  }
0xb: {  	[smem:$0x3FAE] =	sst s3  }
0xc: {  	[smem:$0x3FAF] =	sst s4  }
0xd: {  	[smem:$0x3FB0] =	sst s5  }
0xe: {  	[smem:$0x3FB1] =	sst s6  }
0xf: {  	[smem:$0x3FB2] =	sst s7  }
0x10: {  	[smem:$0x3FB3] =	sst s8  }
0x11: {  	[smem:$0x3FB4] =	sst s9;
	s0 =	simm.s32 @!p0 $0x0  }
0x12: {  	s1 =	sld [smem:$0x3F9A];
	s0 =	simm.s32 @p0 $0x1  }
0x13: {  	[smem:$0x3FB5] =	sst s0;
	s0 =	simm.s32 @!p1 $0x0  }
0x14: {  	s2 =	sld [smem:$0x3F99];
	s0 =	simm.s32 @p1 $0x1  }
0x15: {  	[smem:$0x3FB6] =	sst s0;
	s0 =	simm.s32 @!p2 $0x0  }
0x16: {  	s3 =	sld [smem:$0x3FDB];
	s0 =	simm.s32 @p2 $0x1  }
0x17: {  	s4 =	simm.s32 $0x1BF5;
	[smem:$0x3FB8] =	sst s0  }
0x18: {  	s0 =	sld [smem:$0x3F9B];
	_ =	swait.ge [sflag:s4], $0x0  }
0x19: {  	s7 =	sld [smem:$0x3F9C]  }
0x1a: {  	s8 =	sadd.s32 $0xFFFFE003, lr  }
0x1b: {  	s9 =	sadd.s32 $0xFFFFFEF7, lr;
	s5 =	simm.s32 $0xFFFFFFFF;
	p2 =	slt.u32 s8, $0xFFFFF086  }
0x1c: {  	p1 =	slt.u32 s9, $0xF7A;
	s5 =	simm.s32 @!p2 $0x0  }
0x1d: {  	s5 =	simm.s32 @p1 $0x1;
	p0 =	seq.s32 s7, s2  }
0x1e: {  	s7 =	smul.u32 @!p0 $0xF7A, s2;
	p2 =	seq.s32 @!p0 s5, $0x0  }
0x1f: {  	s9 =	smul.u32 $0xF7A, s1;
	s8 =	simm.s32 @!p0 $0x1BF5;
	p2 =	por !p2, p0  }
0x20: {  	[sflag:s8] =	ssyncset.s32 @!p0 $0xFFFFF086;
	s6 =	sadd.s32 @!p0 s3, s7;
	s7 =	simm.s32 @!p0 $0x108  }
0x21: {  	s3 =	sadd.s32 s3, s9;
	s6 =	sadd.s32 @!p0 $0x88, s6;
	s7 =	simm.s32 @p2 $0x1082  }
0x22: {  	[simem:s7], [sflag:s8] =	dma.local @!p0 [hbm:s6], $0xF7A  }
0x23: {  	s9 =	sor.u32 $0xD0000000, s2;
	s6 =	simm.s32 $0x108;
	_ =	swait.ge @!p0 [sflag:s8], $0x0  }
0x24: {  	s3 =	sadd.s32 $0x88, s3;
	s6 =	simm.s32 @!p1 $0x1082;
	[sflag:s4] =	ssyncset.s32 $0xFFFFF086  }
0x25: {  	[simem:s6], [sflag:s4] =	dma.local [hbm:s3], $0xF7A  }
0x26: {  	[smem:$0x3F9C] =	sst s1;
	(tag) =	ssettag s2;
	_ =	strace s9  }
0x27: {  	s1 =	sld [smem:$0x3FAC]  }
0x28: {  	s2 =	sld [smem:$0x3FAD]  }
0x29: {  	s4 =	sld [smem:$0x3FAF]  }
0x2a: {  	p0 =	seq.s32 s5, $0x0;
	s5 =	sld [smem:$0x3FB0]  }
0x2b: {  	s6 =	sld [smem:$0x3FB1]  }
0x2c: {  	s7 =	sld [smem:$0x3FB2]  }
0x2d: {  	s3 =	simm.s32 $0x108;
	s8 =	sld [smem:$0x3FB3]  }
0x2e: {  	s3 =	simm.s32 @!p0 $0x1082;
	s9 =	sld [smem:$0x3FB4]  }
0x2f: {  	lr =	sadd.s32 s0, s3;
	s0 =	sld [smem:$0x3FAB]  }
0x30: {  	s3 =	sld [smem:$0x3FAE]  }
0x31: {  	[smem:$0x3FB7] =	sst s10  }
0x32: {  	s10 =	sld [smem:$0x3FB5];
	_ =	sdelay $0x3  }
0x33: {  	p0 =	seq.s32 s10, $0x1;
	s10 =	sld [smem:$0x3FB7];
	_ =	sdelay $0x3  }
0x34: {  	[smem:$0x3FB7] =	sst s10  }
0x35: {  	s10 =	sld [smem:$0x3FB6];
	_ =	sdelay $0x3  }
0x36: {  	p1 =	seq.s32 s10, $0x1;
	s10 =	sld [smem:$0x3FB7];
	_ =	sdelay $0x3  }
0x37: {  	[smem:$0x3FB7] =	sst s10  }
0x38: {  	s10 =	sld [smem:$0x3FB8]  }
0x39: {  	_ = 	snop;
	(pc) =	sbr.ind lr, $3  }
0x3a: {  	_ = 	snop  }
0x3b: {  	_ = 	snop  }
0x3c: {  	p2 =	seq.s32 s10, $0x1;
	s10 =	sld [smem:$0x3FB7]  }
0x3d: {  	_ =	shalt  }
0x3e: {  	_ =	shalt  }
0x3f: {  	_ =	shalt  }
0x40: {  	_ =	shalt  }
0x41: {  	_ =	shalt  }
0x42: {  	_ =	shalt  }
0x43: {  	_ =	shalt  }
0x44: {  	_ =	shalt  }
0x45: {  	_ =	shalt  }
0x46: {  	_ =	shalt  }
0x47: {  	_ =	shalt  }
0x48: {  	_ =	shalt  }
0x49: {  	_ =	shalt  }
0x4a: {  	_ =	shalt  }
0x4b: {  	_ =	shalt  }
0x4c: {  	_ =	shalt  }
0x4d: {  	_ =	shalt  }
0x4e: {  	_ =	shalt  }
0x4f: {  	_ =	shalt  }
0x50: {  	_ =	shalt  }
0x51: {  	_ =	shalt  }
0x52: {  	_ =	shalt  }
0x53: {  	_ =	shalt  }
0x54: {  	_ =	shalt  }
0x55: {  	_ =	shalt  }
0x56: {  	_ =	shalt  }
0x57: {  	_ =	shalt  }
0x58: {  	_ =	shalt  }
0x59: {  	_ =	shalt  }
0x5a: {  	_ =	shalt  }
0x5b: {  	_ =	shalt  }
0x5c: {  	_ =	shalt  }
0x5d: {  	_ =	shalt  }
0x5e: {  	_ =	shalt  }
0x5f: {  	_ =	shalt  }
0x60: {  	_ =	shalt  }
0x61: {  	_ =	shalt  }
0x62: {  	_ =	shalt  }
0x63: {  	_ =	shalt  }
0x64: {  	_ =	shalt  }
0x65: {  	_ =	shalt  }
0x66: {  	_ =	shalt  }
0x67: {  	_ =	shalt  }
0x68: {  	_ =	shalt  }
0x69: {  	_ =	shalt  }
0x6a: {  	_ =	shalt  }
0x6b: {  	_ =	shalt  }
0x6c: {  	_ =	shalt  }
0x6d: {  	_ =	shalt  }
0x6e: {  	_ =	shalt  }
0x6f: {  	_ =	shalt  }
0x70: {  	_ =	shalt  }
0x71: {  	_ =	shalt  }
0x72: {  	_ =	shalt  }
0x73: {  	_ =	shalt  }
0x74: {  	_ =	shalt  }
0x75: {  	_ =	shalt  }
0x76: {  	_ =	shalt  }
0x77: {  	_ =	shalt  }
0x78: {  	_ =	shalt  }
0x79: {  	_ =	shalt  }
0x7a: {  	_ =	shalt  }
0x7b: {  	_ =	shalt  }
0x7c: {  	_ =	shalt  }
0x7d: {  	_ =	shalt  }
0x7e: {  	_ =	shalt  }
0x7f: {  	_ =	shalt  }
0x80: {  	_ =	shalt  }
0x81: {  	_ =	shalt  }
0x82: {  	_ =	shalt  }
0x83: {  	_ =	shalt  }
0x84: {  	_ =	shalt  }
0x85: {  	_ =	shalt  }
0x86: {  	_ =	shalt  }
0x87: {  	_ =	shalt  }
.Lfunc_end0:
.L_simem_size_0:
called_computation_lowered:
.L_overlay_start_0:
0x88: {  	s2 =	sld [smem:$0x3FD9]  }
0x89: {  	s3 =	sld [smem:$0x3FFE];
	_ =	sdelay $0x1  }
0x8a: {  	s1 =	srdreg.scid  }
0x8b: {  	s0 =	sand.u32 $0x1, s1  }
0x8c: {  	s14 =	sshll.u32 s0, $0xA;
	s2 =	sadd.s32 s3, s2  }
0x8d: {  	s2 =	sadd.s32 s2, s14  }
0x8e: {  	[smem:$0x3FC3] =	sst s2  }
0x8f: {  	_ = 	snop  }
0x90: {  	s2 =	sld [smem:$0x3FD0];
	_ =	sdelay $0x2  }
0x91: {  	s4 =	simm.s32 $0xA;
	s5 =	simm.s32 $0x10;
	s15 =	sld [smem:$0x3FC9]  }
0x92: {  	[smem:s5], [sflag:s4] =	dma.local [hbm:s2], $0x1  }
0x93: {  	_ =	swait.eq [sflag:s4], $0x1  }
0x94: {  	[sflag:s4] =	ssyncset.done $0x0  }
0x95: {  	[sflag:s4] =	ssyncadd.s32 $0xFFFFFFFF  }
0x96: {  	s16 =	sld [smem:$0x10];
	(tm) =	ssettm $0x1  }
0x97: {  	s17 =	sld [smem:$0x3FFB];
	_ =	sdelay $0x3  }
0x98: {  	_ =	strace s17  }
0x99: {  	s4 =	sld [smem:$0x3FFC];
	_ =	sdelay $0x3  }
0x9a: {  	_ =	strace s4  }
0x9b: {  	s4 =	sld [smem:$0x3FFD];
	_ =	sdelay $0x3  }
0x9c: {  	_ =	strace s4  }
0x9d: {  	_ =	strace $0x8FFFFFFF  }
0x9e: {  	s18 =	sld [smem:$0x3FDB];
	_ =	sdelay $0x1  }
0x9f: {  	s19 =	simm.s32 $_scs_section_size  }
0xa0: {  	s6 =	simm.s32 $_size__tile_overlayer_lowered;
	s7 =	simm.s32 $_tile_overlayer_lowered  }
0xa1: {  	s22 =	simm.s32 $0x1BFF;
	s21 =	sshll.u32 s7, $0x1;
	s4 =	sadd.s32 s19, s18  }
0xa2: {  	s8 =	simm.s32 $0x0;
	s20 =	sshll.u32 s6, $0x1;
	s6 =	sadd.s32 s21, s4  }
0xa3: {  	[timem:s8], [sflag:s22] =	dma.local [hbm:s6], s20  }
0xa4: {  	_ =	swait.ge [sflag:s22], s20  }
0xa5: {  	s5 =	ssub.s32 $0x0, s20;
	[sflag:s22] =	ssyncset.done $0x0  }
0xa6: {  	[sflag:s22] =	ssyncadd.s32 s5;
	_ =	sdelay $0x1  }
0xa7: {  	s23 =	simm.s32 $0x1B8B  }
0xa8: {  	_ =	swait.ge [sflag:s23], $0x1  }
0xa9: {  	[sflag:s23] =	ssyncset.done $0x0  }
0xaa: {  	s25 =	simm.s32 $0x1B8E;
	s24 =	sld [smem:$0x3FFE];
	[sflag:s23] =	ssyncadd.s32 $0xFFFFFFFF  }
0xab: {  	s26 =	simm.s32 $execute0_lowered;
	[smem:$0x3FD2] =	sst s25  }
0xac: {  	s6 =	sshll.u32 s26, $0x1;
	_ =	strace $0x80000046;
	[dreg:$0x1] =	wrdreg $0xFFFFFFFF  }
0xad: {  	s28 =	simm.s32 $_size_execute0_lowered;
	s4 =	sadd.s32 s4, s6;
	[dreg:$0x0] =	wrdreg $0x0  }
0xae: {  	s6 =	sshll.u32 s28, $0x1;
	[dreg:$0x2] =	wrdreg s4  }
0xaf: {  	[dreg:$0x3] =	wrdreg s6  }
0xb0: {  	[dreg:$0x4] =	wrdreg $0xC0  }
0xb1: {  	_ =	task [dreg:s8], $0x5FFFF  }
0xb2: {  	[dreg:$0x1] =	wrdreg $0xFFFFFFFF  }
0xb3: {  	[dreg:$0x0] =	wrdreg $0x60  }
0xb4: {  	[dreg:$0x2] =	wrdreg s15  }
0xb5: {  	[dreg:$0x3] =	wrdreg s24  }
0xb6: {  	[dreg:$0x4] =	wrdreg s16  }
0xb7: {  	[dreg:$0x5] =	wrdreg $0x9  }
0xb8: {  	_ =	task.clear_ibuf [dreg:s8], $0x6FFFF;
	_ =	strace $0x90000046  }
0xb9: {  	s29 =	simm.s32 $0x9;
	_ =	strace $0x80000048  }
0xba: {  	_ =	swait.ge [sflag:s29], $0x1  }
0xbb: {  	[sflag:s29] =	ssyncadd.s32 $0xFFFFFFFF  }
0xbc: {  	_ =	strace $0x90000048  }
0xbd: {  	_ =	sfence  }
0xbe: {  	s30 =	sld [smem:$0x0];
	_ =	sdelay $0x2  }
0xbf: {  	s31 =	sshll.u32 s1, $0xD;
	s1 =	sshrl.u32 s1, $0x2  }
0xc0: {  	s3 =	sand.u32 $0x4000, s31;
	s1 =	sadd.s32 s1, s30  }
0xc1: {  	s0 =	sor.u32 s3, s0;
	s1 =	sshll.u32 s1, $0x11  }
0xc2: {  	s0 =	sor.u32 s1, s0  }
0xc3: {  	s0 =	sadd.s32 $0x8F2B, s0  }
0xc4: {  	[sflag:s0] =	ssyncadd.remote.s32 $0x1  }
0xc5: {  	_ =	sfence.sel $0xFFFF  }
0xc6: {  	[dreg:$0x0] =	wrdreg $0xFFFFFFFF;
	(pc) =	sbr.abs _section_cstart, $3  }
0xc7: {  	[dreg:$0x1] =	wrdreg $0xFFFFFFFF  }
0xc8: {  	_ =	task.clear_ibuf [dreg:s8], $0x2FFFF;
	_ =	strace $0x9FFFFFFF  }
0xc9: {  	(tm) =	ssettm $0x7FFFFFFF  }
tec
execute0_lowered:
.L_overlay_start_1:
0x0: {  	(tag) =	ssettag $0x1  }
0x1: {  	s1 =	rddreg [dreg:$0x0]  }
0x2: {  	s2 =	srdreg.scid;
	s4 =	rddreg [dreg:$0x1]  }
0x3: {  	s0 =	stileid.u32;
	s3 =	simm.s32 $0x0;
	s8 =	simm.s32 $0x80  }
0x4: {  	s26 =	simm.s32 $0x880;
	s9 =	simm.s32 $0x1080;
	s10 =	simm.s32 $0x1880  }
0x5: {  	s11 =	simm.s32 $0x2080;
	s12 =	simm.s32 $0x2880;
	s13 =	simm.s32 $0x3080  }
0x6: {  	s14 =	simm.s32 $0x3880;
	s15 =	simm.s32 $0x4080;
	s16 =	simm.s32 $0x4880  }
0x7: {  	s17 =	simm.s32 $0x5080;
	s18 =	simm.s32 $0x5880;
	s19 =	simm.s32 $0x6080  }
0x8: {  	s20 =	simm.s32 $0x6880;
	s21 =	simm.s32 $0x7080;
	s22 =	simm.s32 $0x7880  }
0x9: {  	s23 =	simm.s32 $0x8080;
	s28 =	simm.s32 $0xA080;
	s29 =	simm.s32 $0xA880  }
0xa: {  	s30 =	simm.s32 $0xB080;
	s5 =	sand.u32 $0x1, s2;
	s2 =	rddreg [dreg:$0x2]  }
0xb: {  	s31 =	simm.s32 $0xB880;
	s6 =	sshll.u32 s0, $0x4;
	[smem:$0x7FF] =	sst s3  }
0xc: {  	s7 =	sshll.u32 s5, $0x3;
	_ =	strace $0x80000047;
	s5 =	ssub.s32 $0x2, s5  }
0xd: {  	[dreg:$0x6] =	wrdreg s26;
	s26 =	simm.s32 $0x9880;
	s6 =	sor.u32 s7, s6  }
0xe: {  	s24 =	sshrl.u32 s5, $0x1;
	s7 =	simm.s32 $0x2;
	s4 =	sadd.s32 s6, s4  }
0xf: {  	s6 =	smul.u32 $0x300, s6;
	s25 =	ssub.s32 s5, s24;
	s4 =	sadd.s32 $0x1600, s4  }
0x10: {  	v2 =	vlaneseq.u32;
	s5 =	sadd.s32 $0x200, s2;
	s24 =	simm.s32 $0x8880;
	[dreg:$0x4] =	wrdreg s4  }
0x11: {  	vm0 =	vmmov $0xffff;
	v1 =	vshrl.u32 v2, $0x3;
	s1 =	sadd.s32 s1, s6;
	s4 =	sadd.s32 $0x100, s2;
	s6 =	smax.u32 s25, $0x1  }
0x12: {  	v0 =	vand.u32 $0x7, v2;
	v2 =	vor.u32 $0x8, v2;
	v1 =	vmul.u32 $0x8, v1;
	s25 =	simm.s32 $0x9080;
	[dreg:$0x5] =	wrdreg s1;
	s1 =	simm.s32 $0x1  }
.LBB2_1:
0x13: {  	s0 =	rddreg [dreg:$0x4]  }
0x14: {  	[tilespmem:s3], [sflag:$0x2] =	stream.linear.gather [hbm4b:s0+s3], $0x40, $0x38;
	[tilespmem:$0xC080] =	vst v63  }
0x15: {  	_ =	swait.ge [sflag:s7], $0x40  }
0x16: {  	[sflag:s7] =	ssyncset.done $0x0  }
0x17: {  	s0 =	rddreg [dreg:$0x5];
	[sflag:s7] =	ssyncadd.s32 $0xFFFFFFC0  }
0x18: {  	[tilespmem:s8], [sflag:$0x2] =	stream.linear.gather [hbm4b:s0+s3], $0xC000, $0x38;
	[tilespmem:$0xC080] =	vst v63  }
0x19: {  	_ =	swait.ge [sflag:s7], $0xC000  }
0x1a: {  	[sflag:s7] =	ssyncset.done $0x0  }
0x1b: {  	[sflag:s7] =	ssyncadd.s32 $0xFFFF4000  }
0x1c: {  	v3 =	vld [tilespmem:$0x0];
	_ =	sdelay $0x4  }
0x1d: {  	v4 =	vshrl.u32 v3, $0x3  }
0x1e: {  	v4 =	vmul.u32 $0x30, v4  }
0x1f: {  	v3 =	vand.u32 $0x7, v3  }
0x20: {  	v3 =	vor.u32 v3, v4  }
0x21: {  	v4 =	vperm.xlane v3, v0;
	_ =	sdelay $0x1  }
0x22: {  	v4 =	vadd.s32 v1, v4;
	_ =	sdelay $0x3  }
0x23: {  	v3 =	vperm.xlane v3, v2  }
0x24: {  	[hbm4b:s2+s3] =	stream.indirect_vreg.scatter [tilespmem:s8], [sflag:$0x1], $0x80, v4, vm0, $0xb8;
	[tilespmem:$0xC080] =	vst v63  }
0x25: {  	s0 =	rddreg [dreg:$0x6];
	v3 =	vadd.s32 v1, v3  }
0x26: {  	[hbm4b:s4+s3] =	stream.indirect_vreg.scatter [tilespmem:s0], [sflag:$0x1], $0x80, v4, vm0, $0xb8;
	[tilespmem:$0xC080] =	vst v63  }
0x27: {  	_ = 	snop  }
0x28: {  	[hbm4b:s5+s3] =	stream.indirect_vreg.scatter [tilespmem:s9], [sflag:$0x1], $0x80, v4, vm0, $0xb8;
	[tilespmem:$0xC080] =	vst v63  }
0x29: {  	_ = 	snop  }
0x2a: {  	[hbm4b:s2+s3] =	stream.indirect_vreg.scatter [tilespmem:s10], [sflag:$0x1], $0x80, v3, vm0, $0xb8;
	[tilespmem:$0xC080] =	vst v63  }
0x2b: {  	_ = 	snop  }
0x2c: {  	[hbm4b:s4+s3] =	stream.indirect_vreg.scatter [tilespmem:s11], [sflag:$0x1], $0x80, v3, vm0, $0xb8;
	[tilespmem:$0xC080] =	vst v63  }
0x2d: {  	_ = 	snop  }
0x2e: {  	[hbm4b:s5+s3] =	stream.indirect_vreg.scatter [tilespmem:s12], [sflag:$0x1], $0x80, v3, vm0, $0xb8;
	[tilespmem:$0xC080] =	vst v63  }
0x2f: {  	v3 =	vld [tilespmem:$0x10];
	_ =	sdelay $0x4  }
0x30: {  	v61 =	vshrl.u32 v3, $0x3  }
0x31: {  	v4 =	vmul.u32 $0x30, v61  }
0x32: {  	v3 =	vand.u32 $0x7, v3  }
0x33: {  	v3 =	vor.u32 v3, v4  }
0x34: {  	v4 =	vperm.xlane v3, v0;
	_ =	sdelay $0x1  }
0x35: {  	v4 =	vadd.s32 v1, v4;
	_ =	sdelay $0x3  }
0x36: {  	v3 =	vperm.xlane v3, v2  }
0x37: {  	[hbm4b:s2+s3] =	stream.indirect_vreg.scatter [tilespmem:s13], [sflag:$0x1], $0x80, v4, vm0, $0xb8;
	[tilespmem:$0xC080] =	vst v63  }
0x38: {  	v3 =	vadd.s32 v1, v3  }
0x39: {  	[hbm4b:s4+s3] =	stream.indirect_vreg.scatter [tilespmem:s14], [sflag:$0x1], $0x80, v4, vm0, $0xb8;
	[tilespmem:$0xC080] =	vst v63  }
0x3a: {  	_ = 	snop  }
0x3b: {  	[hbm4b:s5+s3] =	stream.indirect_vreg.scatter [tilespmem:s15], [sflag:$0x1], $0x80, v4, vm0, $0xb8;
	[tilespmem:$0xC080] =	vst v63  }
0x3c: {  	_ = 	snop  }
0x3d: {  	[hbm4b:s2+s3] =	stream.indirect_vreg.scatter [tilespmem:s16], [sflag:$0x1], $0x80, v3, vm0, $0xb8;
	[tilespmem:$0xC080] =	vst v63  }
0x3e: {  	_ = 	snop  }
0x3f: {  	[hbm4b:s4+s3] =	stream.indirect_vreg.scatter [tilespmem:s17], [sflag:$0x1], $0x80, v3, vm0, $0xb8;
	[tilespmem:$0xC080] =	vst v63  }
0x40: {  	_ = 	snop  }
0x41: {  	[hbm4b:s5+s3] =	stream.indirect_vreg.scatter [tilespmem:s18], [sflag:$0x1], $0x80, v3, vm0, $0xb8;
	[tilespmem:$0xC080] =	vst v63  }
0x42: {  	v3 =	vld [tilespmem:$0x20];
	_ =	sdelay $0x4  }
0x43: {  	v62 =	vshrl.u32 v3, $0x3  }
0x44: {  	v4 =	vmul.u32 $0x30, v62  }
0x45: {  	v3 =	vand.u32 $0x7, v3  }
0x46: {  	v3 =	vor.u32 v3, v4  }
0x47: {  	v4 =	vperm.xlane v3, v0;
	_ =	sdelay $0x1  }
0x48: {  	v4 =	vadd.s32 v1, v4;
	_ =	sdelay $0x3  }
0x49: {  	v3 =	vperm.xlane v3, v2  }
0x4a: {  	[hbm4b:s2+s3] =	stream.indirect_vreg.scatter [tilespmem:s19], [sflag:$0x1], $0x80, v4, vm0, $0xb8;
	[tilespmem:$0xC080] =	vst v63  }
0x4b: {  	v3 =	vadd.s32 v1, v3  }
0x4c: {  	[hbm4b:s4+s3] =	stream.indirect_vreg.scatter [tilespmem:s20], [sflag:$0x1], $0x80, v4, vm0, $0xb8;
	[tilespmem:$0xC080] =	vst v63  }
0x4d: {  	_ = 	snop  }
0x4e: {  	[hbm4b:s5+s3] =	stream.indirect_vreg.scatter [tilespmem:s21], [sflag:$0x1], $0x80, v4, vm0, $0xb8;
	[tilespmem:$0xC080] =	vst v63  }
0x4f: {  	_ = 	snop  }
0x50: {  	[hbm4b:s2+s3] =	stream.indirect_vreg.scatter [tilespmem:s22], [sflag:$0x1], $0x80, v3, vm0, $0xb8;
	[tilespmem:$0xC080] =	vst v63  }
0x51: {  	_ = 	snop  }
0x52: {  	[hbm4b:s4+s3] =	stream.indirect_vreg.scatter [tilespmem:s23], [sflag:$0x1], $0x80, v3, vm0, $0xb8;
	[tilespmem:$0xC080] =	vst v63  }
0x53: {  	_ = 	snop  }
0x54: {  	[hbm4b:s5+s3] =	stream.indirect_vreg.scatter [tilespmem:s24], [sflag:$0x1], $0x80, v3, vm0, $0xb8;
	[tilespmem:$0xC080] =	vst v63  }
0x55: {  	v3 =	vld [tilespmem:$0x30];
	_ =	sdelay $0x4  }
0x56: {  	v63 =	vshrl.u32 v3, $0x3  }
0x57: {  	v4 =	vmul.u32 $0x30, v63  }
0x58: {  	v3 =	vand.u32 $0x7, v3  }
0x59: {  	v3 =	vor.u32 v3, v4  }
0x5a: {  	v4 =	vperm.xlane v3, v0;
	_ =	sdelay $0x1  }
0x5b: {  	v4 =	vadd.s32 v1, v4;
	_ =	sdelay $0x3  }
0x5c: {  	v3 =	vperm.xlane v3, v2  }
0x5d: {  	[hbm4b:s2+s3] =	stream.indirect_vreg.scatter [tilespmem:s25], [sflag:$0x1], $0x80, v4, vm0, $0xb8;
	[tilespmem:$0xC080] =	vst v63  }
0x5e: {  	v3 =	vadd.s32 v1, v3  }
0x5f: {  	[hbm4b:s4+s3] =	stream.indirect_vreg.scatter [tilespmem:s26], [sflag:$0x1], $0x80, v4, vm0, $0xb8;
	[tilespmem:$0xC080] =	vst v63  }
0x60: {  	_ = 	snop  }
0x61: {  	[hbm4b:s5+s3] =	stream.indirect_vreg.scatter [tilespmem:s28], [sflag:$0x1], $0x80, v4, vm0, $0xb8;
	[tilespmem:$0xC080] =	vst v63  }
0x62: {  	_ = 	snop  }
0x63: {  	[hbm4b:s2+s3] =	stream.indirect_vreg.scatter [tilespmem:s29], [sflag:$0x1], $0x80, v3, vm0, $0xb8;
	[tilespmem:$0xC080] =	vst v63  }
0x64: {  	p0 =	sne.s32 s6, $0x1  }
0x65: {  	[hbm4b:s4+s3] =	stream.indirect_vreg.scatter [tilespmem:s30], [sflag:$0x1], $0x80, v3, vm0, $0xb8;
	[tilespmem:$0xC080] =	vst v63  }
.Ltmp0:
0x66: {  	_ = 	snop;
	(pc) =	sbr.rel @p0 .LBB2_1-.Ltmp0, $4  }
0x67: {  	[hbm4b:s5+s3] =	stream.indirect_vreg.scatter [tilespmem:s31], [sflag:$0x1], $0x80, v3, vm0, $0xb8;
	[tilespmem:$0xC080] =	vst v63  }
0x68: {  	_ =	swait.ge [sflag:s1], $0xC000  }
0x69: {  	[sflag:s1] =	ssyncset.done $0x0  }
0x6a: {  	s6 =	sadd.s32 $0xFFFFFFFF, s6;
	[sflag:s1] =	ssyncadd.s32 $0xFFFF4000  }
0x6b: {  	_ =	sfence.sel $0x180000  }
0x6c: {  	[bflag:$0x0] =	sbarrier.arrive $0xFFFF  }
0x6d: {  	_ =	strace $0x90000047  }
0x6e: {  	s0 =	stileid.u32;
	[bflag:$0x2] =	sbarrier.arrive $0xFFFF  }
0x6f: {  	p0 =	sne.s32 s0, $0x0;
	s0 =	rddreg [dreg:$0x3]  }
0x70: {  	s0 =	sadd.s32 @!p0 $0x100000, s0  }
0x71: {  	[sflag:s0] =	ssyncadd.tile.s32 @!p0 $0x1;
	_ =	shalt  }
.Lfunc_end2:
_tile_overlayer_lowered:
.L_overlay_start_2:
0x72: {  	(tag) =	ssettag $0x2  }
0x73: {  	s0 =	rddreg [dreg:$0x0];
	s2 =	stileid.u32  }
0x74: {  	s1 =	rddreg [dreg:$0x1];
	p0 =	sne.s32 s2, $0x0  }
0x75: {  	s3 =	rddreg [dreg:$0x2];
	[bflag:$0x3] =	sbarrier.arrive $0xFFFF;
	s2 =	simm.s32 @!p0 $0x1C02  }
0x76: {  	[timem:s3], [sflag:s2] =	dma.local @!p0 [hbm:s0], s1  }
0x77: {  	s0 =	simm.s32 @!p0 $0x2  }
0x78: {  	_ =	swait.ge @!p0 [sflag:s0], s1  }
0x79: {  	s1 =	ssub.s32 @!p0 $0x0, s1;
	[sflag:s0] =	ssyncset.done @!p0 $0x0  }
0x7a: {  	[sflag:s0] =	ssyncadd.s32 @!p0 s1  }
0x7b: {  	[bflag:$0x3] =	sbarrier.arrive $0xFFFF  }
0x7c: {  	_ =	shalt  }

// kernel: kernel.9.cloned.1.call-start
scs
__scs_entry_jumppad:
0x0: {  	(pc) =	sbr.rel $0x88, $3  }
0x1: {  	(tag) =	ssettag $0x0;
	lr =	simm.s32 $0x1  }
0x2: {  	[smem:$0x3F9C] =	sst lr;
	_ =	strace $0xD0000000  }
0x3: {  	_ = 	snop  }
0x4: {  	_ = 	snop  }
0x5: {  	_ = 	snop  }
0x6: {  	_ = 	snop  }
0x7: {  	_ = 	snop  }
__scs_overlays_trampoline_lowered:
0x8: {  	[smem:$0x3FAB] =	sst s0  }
0x9: {  	[smem:$0x3FAC] =	sst s1  }
0xa: {  	[smem:$0x3FAD] =	sst s2  }
0xb: {  	[smem:$0x3FAE] =	sst s3  }
0xc: {  	[smem:$0x3FAF] =	sst s4  }
0xd: {  	[smem:$0x3FB0] =	sst s5  }
0xe: {  	[smem:$0x3FB1] =	sst s6  }
0xf: {  	[smem:$0x3FB2] =	sst s7  }
0x10: {  	[smem:$0x3FB3] =	sst s8  }
0x11: {  	[smem:$0x3FB4] =	sst s9;
	s0 =	simm.s32 @!p0 $0x0  }
0x12: {  	s1 =	sld [smem:$0x3F9A];
	s0 =	simm.s32 @p0 $0x1  }
0x13: {  	[smem:$0x3FB5] =	sst s0;
	s0 =	simm.s32 @!p1 $0x0  }
0x14: {  	s2 =	sld [smem:$0x3F99];
	s0 =	simm.s32 @p1 $0x1  }
0x15: {  	[smem:$0x3FB6] =	sst s0;
	s0 =	simm.s32 @!p2 $0x0  }
0x16: {  	s3 =	sld [smem:$0x3FDB];
	s0 =	simm.s32 @p2 $0x1  }
0x17: {  	s4 =	simm.s32 $0x1BF5;
	[smem:$0x3FB8] =	sst s0  }
0x18: {  	s0 =	sld [smem:$0x3F9B];
	_ =	swait.ge [sflag:s4], $0x0  }
0x19: {  	s7 =	sld [smem:$0x3F9C]  }
0x1a: {  	s8 =	sadd.s32 $0xFFFFE003, lr  }
0x1b: {  	s9 =	sadd.s32 $0xFFFFFEF7, lr;
	s5 =	simm.s32 $0xFFFFFFFF;
	p2 =	slt.u32 s8, $0xFFFFF086  }
0x1c: {  	p1 =	slt.u32 s9, $0xF7A;
	s5 =	simm.s32 @!p2 $0x0  }
0x1d: {  	s5 =	simm.s32 @p1 $0x1;
	p0 =	seq.s32 s7, s2  }
0x1e: {  	s7 =	smul.u32 @!p0 $0xF7A, s2;
	p2 =	seq.s32 @!p0 s5, $0x0  }
0x1f: {  	s9 =	smul.u32 $0xF7A, s1;
	s8 =	simm.s32 @!p0 $0x1BF5;
	p2 =	por !p2, p0  }
0x20: {  	[sflag:s8] =	ssyncset.s32 @!p0 $0xFFFFF086;
	s6 =	sadd.s32 @!p0 s3, s7;
	s7 =	simm.s32 @!p0 $0x108  }
0x21: {  	s3 =	sadd.s32 s3, s9;
	s6 =	sadd.s32 @!p0 $0x88, s6;
	s7 =	simm.s32 @p2 $0x1082  }
0x22: {  	[simem:s7], [sflag:s8] =	dma.local @!p0 [hbm:s6], $0xF7A  }
0x23: {  	s9 =	sor.u32 $0xD0000000, s2;
	s6 =	simm.s32 $0x108;
	_ =	swait.ge @!p0 [sflag:s8], $0x0  }
0x24: {  	s3 =	sadd.s32 $0x88, s3;
	s6 =	simm.s32 @!p1 $0x1082;
	[sflag:s4] =	ssyncset.s32 $0xFFFFF086  }
0x25: {  	[simem:s6], [sflag:s4] =	dma.local [hbm:s3], $0xF7A  }
0x26: {  	[smem:$0x3F9C] =	sst s1;
	(tag) =	ssettag s2;
	_ =	strace s9  }
0x27: {  	s1 =	sld [smem:$0x3FAC]  }
0x28: {  	s2 =	sld [smem:$0x3FAD]  }
0x29: {  	s4 =	sld [smem:$0x3FAF]  }
0x2a: {  	p0 =	seq.s32 s5, $0x0;
	s5 =	sld [smem:$0x3FB0]  }
0x2b: {  	s6 =	sld [smem:$0x3FB1]  }
0x2c: {  	s7 =	sld [smem:$0x3FB2]  }
0x2d: {  	s3 =	simm.s32 $0x108;
	s8 =	sld [smem:$0x3FB3]  }
0x2e: {  	s3 =	simm.s32 @!p0 $0x1082;
	s9 =	sld [smem:$0x3FB4]  }
0x2f: {  	lr =	sadd.s32 s0, s3;
	s0 =	sld [smem:$0x3FAB]  }
0x30: {  	s3 =	sld [smem:$0x3FAE]  }
0x31: {  	[smem:$0x3FB7] =	sst s10  }
0x32: {  	s10 =	sld [smem:$0x3FB5];
	_ =	sdelay $0x3  }
0x33: {  	p0 =	seq.s32 s10, $0x1;
	s10 =	sld [smem:$0x3FB7];
	_ =	sdelay $0x3  }
0x34: {  	[smem:$0x3FB7] =	sst s10  }
0x35: {  	s10 =	sld [smem:$0x3FB6];
	_ =	sdelay $0x3  }
0x36: {  	p1 =	seq.s32 s10, $0x1;
	s10 =	sld [smem:$0x3FB7];
	_ =	sdelay $0x3  }
0x37: {  	[smem:$0x3FB7] =	sst s10  }
0x38: {  	s10 =	sld [smem:$0x3FB8]  }
0x39: {  	_ = 	snop;
	(pc) =	sbr.ind lr, $3  }
0x3a: {  	_ = 	snop  }
0x3b: {  	_ = 	snop  }
0x3c: {  	p2 =	seq.s32 s10, $0x1;
	s10 =	sld [smem:$0x3FB7]  }
0x3d: {  	_ =	shalt  }
0x3e: {  	_ =	shalt  }
0x3f: {  	_ =	shalt  }
0x40: {  	_ =	shalt  }
0x41: {  	_ =	shalt  }
0x42: {  	_ =	shalt  }
0x43: {  	_ =	shalt  }
0x44: {  	_ =	shalt  }
0x45: {  	_ =	shalt  }
0x46: {  	_ =	shalt  }
0x47: {  	_ =	shalt  }
0x48: {  	_ =	shalt  }
0x49: {  	_ =	shalt  }
0x4a: {  	_ =	shalt  }
0x4b: {  	_ =	shalt  }
0x4c: {  	_ =	shalt  }
0x4d: {  	_ =	shalt  }
0x4e: {  	_ =	shalt  }
0x4f: {  	_ =	shalt  }
0x50: {  	_ =	shalt  }
0x51: {  	_ =	shalt  }
0x52: {  	_ =	shalt  }
0x53: {  	_ =	shalt  }
0x54: {  	_ =	shalt  }
0x55: {  	_ =	shalt  }
0x56: {  	_ =	shalt  }
0x57: {  	_ =	shalt  }
0x58: {  	_ =	shalt  }
0x59: {  	_ =	shalt  }
0x5a: {  	_ =	shalt  }
0x5b: {  	_ =	shalt  }
0x5c: {  	_ =	shalt  }
0x5d: {  	_ =	shalt  }
0x5e: {  	_ =	shalt  }
0x5f: {  	_ =	shalt  }
0x60: {  	_ =	shalt  }
0x61: {  	_ =	shalt  }
0x62: {  	_ =	shalt  }
0x63: {  	_ =	shalt  }
0x64: {  	_ =	shalt  }
0x65: {  	_ =	shalt  }
0x66: {  	_ =	shalt  }
0x67: {  	_ =	shalt  }
0x68: {  	_ =	shalt  }
0x69: {  	_ =	shalt  }
0x6a: {  	_ =	shalt  }
0x6b: {  	_ =	shalt  }
0x6c: {  	_ =	shalt  }
0x6d: {  	_ =	shalt  }
0x6e: {  	_ =	shalt  }
0x6f: {  	_ =	shalt  }
0x70: {  	_ =	shalt  }
0x71: {  	_ =	shalt  }
0x72: {  	_ =	shalt  }
0x73: {  	_ =	shalt  }
0x74: {  	_ =	shalt  }
0x75: {  	_ =	shalt  }
0x76: {  	_ =	shalt  }
0x77: {  	_ =	shalt  }
0x78: {  	_ =	shalt  }
0x79: {  	_ =	shalt  }
0x7a: {  	_ =	shalt  }
0x7b: {  	_ =	shalt  }
0x7c: {  	_ =	shalt  }
0x7d: {  	_ =	shalt  }
0x7e: {  	_ =	shalt  }
0x7f: {  	_ =	shalt  }
0x80: {  	_ =	shalt  }
0x81: {  	_ =	shalt  }
0x82: {  	_ =	shalt  }
0x83: {  	_ =	shalt  }
0x84: {  	_ =	shalt  }
0x85: {  	_ =	shalt  }
0x86: {  	_ =	shalt  }
0x87: {  	_ =	shalt  }
.Lfunc_end0:
.L_simem_size_0:
called_computation.1_lowered:
.L_overlay_start_0:
0x88: {  	s2 =	sld [smem:$0x3FD9]  }
0x89: {  	s3 =	sld [smem:$0x3FFE];
	_ =	sdelay $0x1  }
0x8a: {  	s1 =	srdreg.scid  }
0x8b: {  	s0 =	sand.u32 $0x1, s1  }
0x8c: {  	s14 =	sshll.u32 s0, $0xA;
	s2 =	sadd.s32 s3, s2  }
0x8d: {  	s2 =	sadd.s32 s2, s14  }
0x8e: {  	[smem:$0x3FC3] =	sst s2  }
0x8f: {  	_ = 	snop  }
0x90: {  	s2 =	sld [smem:$0x3FD0];
	_ =	sdelay $0x2  }
0x91: {  	s15 =	simm.s32 $0xA;
	s4 =	simm.s32 $0x10  }
0x92: {  	[smem:s4], [sflag:s15] =	dma.local [hbm:s2], $0x1  }
0x93: {  	_ =	swait.eq [sflag:s15], $0x1  }
0x94: {  	[sflag:s15] =	ssyncset.done $0x0  }
0x95: {  	[sflag:s15] =	ssyncadd.s32 $0xFFFFFFFF  }
0x96: {  	s16 =	sld [smem:$0x10];
	(tm) =	ssettm $0x1  }
0x97: {  	s17 =	sld [smem:$0x3FFB];
	_ =	sdelay $0x3  }
0x98: {  	_ =	strace s17  }
0x99: {  	s3 =	sld [smem:$0x3FFC];
	_ =	sdelay $0x3  }
0x9a: {  	_ =	strace s3  }
0x9b: {  	s3 =	sld [smem:$0x3FFD];
	_ =	sdelay $0x3  }
0x9c: {  	_ =	strace s3  }
0x9d: {  	_ =	strace $0x8FFFFFFF  }
0x9e: {  	s18 =	sld [smem:$0x3FDB];
	_ =	sdelay $0x1  }
0x9f: {  	s19 =	simm.s32 $_scs_section_size  }
0xa0: {  	s5 =	simm.s32 $_size__tile_overlayer_lowered;
	s6 =	simm.s32 $_tile_overlayer_lowered  }
0xa1: {  	s22 =	simm.s32 $0x1BFF;
	s21 =	sshll.u32 s6, $0x1;
	s3 =	sadd.s32 s19, s18  }
0xa2: {  	s7 =	simm.s32 $0x0;
	s20 =	sshll.u32 s5, $0x1;
	s5 =	sadd.s32 s21, s3  }
0xa3: {  	[timem:s7], [sflag:s22] =	dma.local [hbm:s5], s20  }
0xa4: {  	_ =	swait.ge [sflag:s22], s20  }
0xa5: {  	s4 =	ssub.s32 $0x0, s20;
	[sflag:s22] =	ssyncset.done $0x0  }
0xa6: {  	[sflag:s22] =	ssyncadd.s32 s4;
	_ =	sdelay $0x1  }
0xa7: {  	s23 =	simm.s32 $0x1B8B  }
0xa8: {  	_ =	swait.ge [sflag:s23], $0x1  }
0xa9: {  	[sflag:s23] =	ssyncset.done $0x0  }
0xaa: {  	s25 =	simm.s32 $0x1B8E;
	s24 =	sld [smem:$0x3FFE];
	[sflag:s23] =	ssyncadd.s32 $0xFFFFFFFF  }
0xab: {  	s26 =	simm.s32 $execute0_lowered;
	[smem:$0x3FD2] =	sst s25  }
0xac: {  	s5 =	sshll.u32 s26, $0x1;
	_ =	strace $0x80000049;
	[dreg:$0x1] =	wrdreg $0xFFFFFFFF  }
0xad: {  	s28 =	simm.s32 $_size_execute0_lowered;
	s3 =	sadd.s32 s3, s5;
	[dreg:$0x0] =	wrdreg $0x0  }
0xae: {  	s5 =	sshll.u32 s28, $0x1;
	[dreg:$0x2] =	wrdreg s3  }
0xaf: {  	[dreg:$0x3] =	wrdreg s5  }
0xb0: {  	[dreg:$0x4] =	wrdreg $0xC0  }
0xb1: {  	_ =	task [dreg:s7], $0x5FFFF  }
0xb2: {  	[dreg:$0x1] =	wrdreg $0xFFFFFFFF  }
0xb3: {  	[dreg:$0x0] =	wrdreg $0x60  }
0xb4: {  	[dreg:$0x2] =	wrdreg s24  }
0xb5: {  	[dreg:$0x3] =	wrdreg s16  }
0xb6: {  	[dreg:$0x4] =	wrdreg $0x9  }
0xb7: {  	_ =	task.clear_ibuf [dreg:s7], $0x5FFFF;
	_ =	strace $0x90000049  }
0xb8: {  	s29 =	simm.s32 $0x9;
	_ =	strace $0x8000004B  }
0xb9: {  	_ =	swait.ge [sflag:s29], $0x1  }
0xba: {  	[sflag:s29] =	ssyncadd.s32 $0xFFFFFFFF  }
0xbb: {  	_ =	strace $0x9000004B  }
0xbc: {  	_ =	sfence  }
0xbd: {  	s30 =	sld [smem:$0x0];
	_ =	sdelay $0x2  }
0xbe: {  	s31 =	sshll.u32 s1, $0xD;
	s1 =	sshrl.u32 s1, $0x2  }
0xbf: {  	s3 =	sand.u32 $0x4000, s31;
	s1 =	sadd.s32 s1, s30  }
0xc0: {  	s0 =	sor.u32 s3, s0;
	s1 =	sshll.u32 s1, $0x11  }
0xc1: {  	s0 =	sor.u32 s1, s0  }
0xc2: {  	s0 =	sadd.s32 $0x8F2B, s0  }
0xc3: {  	[sflag:s0] =	ssyncadd.remote.s32 $0x1  }
0xc4: {  	_ =	sfence.sel $0xFFFF  }
0xc5: {  	[dreg:$0x0] =	wrdreg $0xFFFFFFFF;
	(pc) =	sbr.abs _section_cstart, $3  }
0xc6: {  	[dreg:$0x1] =	wrdreg $0xFFFFFFFF  }
0xc7: {  	_ =	task.clear_ibuf [dreg:s7], $0x2FFFF;
	_ =	strace $0x9FFFFFFF  }
0xc8: {  	(tm) =	ssettm $0x7FFFFFFF  }
0xc9: {  	_ =	shalt  }
tec
execute0_lowered:
.L_overlay_start_1:
0x0: {  	(tag) =	ssettag $0x1  }
0x1: {  	s0 =	rddreg [dreg:$0x0]  }
0x2: {  	s5 =	rddreg [dreg:$0x1];
	s3 =	srdreg.scid  }
0x3: {  	s2 =	simm.s32 $0x0;
	s1 =	stileid.u32;
	s26 =	simm.s32 $0x880  }
0x4: {  	s10 =	simm.s32 $0x1880;
	s11 =	simm.s32 $0x2080;
	s12 =	simm.s32 $0x2880  }
0x5: {  	s13 =	simm.s32 $0x3080;
	s14 =	simm.s32 $0x3880;
	s15 =	simm.s32 $0x4080  }
0x6: {  	s16 =	simm.s32 $0x4880;
	s17 =	simm.s32 $0x5080;
	s18 =	simm.s32 $0x5880  }
0x7: {  	s19 =	simm.s32 $0x6080;
	s20 =	simm.s32 $0x6880;
	s21 =	simm.s32 $0x7080  }
0x8: {  	s22 =	simm.s32 $0x7880;
	s28 =	simm.s32 $0xA080;
	s29 =	simm.s32 $0xA880  }
0x9: {  	s30 =	simm.s32 $0xB080;
	s31 =	simm.s32 $0xB880;
	s3 =	sand.u32 $0x1, s3  }
0xa: {  	[smem:$0x7FF] =	sst s2;
	s4 =	sshll.u32 s1, $0x4;
	s6 =	sshll.u32 s3, $0x3  }
0xb: {  	_ =	strace $0x8000004A;
	s23 =	ssub.s32 $0x2, s3;
	s3 =	sadd.s32 $0x1800, s0  }
0xc: {  	[dreg:$0x5] =	wrdreg s26;
	s26 =	simm.s32 $0x9880;
	s4 =	sor.u32 s6, s4  }
0xd: {  	s8 =	sshrl.u32 s23, $0x1;
	s7 =	sadd.s32 s4, s0;
	s9 =	smul.u32 $0x300, s4  }
0xe: {  	s6 =	ssub.s32 s23, s8;
	s4 =	sadd.s32 $0x1900, s0;
	s8 =	simm.s32 $0x80  }
0xf: {  	s23 =	simm.s32 $0x8080;
	s24 =	sadd.s32 $0x1600, s7;
	s6 =	smax.u32 s6, $0x1  }
0x10: {  	v2 =	vlaneseq.u32;
	s7 =	simm.s32 $0x2;
	[dreg:$0x3] =	wrdreg s24;
	s25 =	sadd.s32 s5, s9  }
0x11: {  	vm0 =	vmmov $0xffff;
	v1 =	vshrl.u32 v2, $0x3;
	s5 =	sadd.s32 $0x1A00, s0;
	s9 =	simm.s32 $0x1080;
	s24 =	simm.s32 $0x8880  }
0x12: {  	v0 =	vand.u32 $0x7, v2;
	v2 =	vor.u32 $0x8, v2;
	v1 =	vmul.u32 $0x8, v1;
	s0 =	simm.s32 $0x1;
	[dreg:$0x4] =	wrdreg s25;
	s25 =	simm.s32 $0x9080  }
.LBB2_1:
0x13: {  	s1 =	rddreg [dreg:$0x3]  }
0x14: {  	[tilespmem:s2], [sflag:$0x2] =	stream.linear.gather [hbm4b:s1+s2], $0x40, $0x38;
	[tilespmem:$0xC080] =	vst v63  }
0x15: {  	_ =	swait.ge [sflag:s7], $0x40  }
0x16: {  	[sflag:s7] =	ssyncset.done $0x0  }
0x17: {  	[sflag:s7] =	ssyncadd.s32 $0xFFFFFFC0  }
0x18: {  	v3 =	vld [tilespmem:$0x0];
	_ =	sdelay $0x4  }
0x19: {  	v4 =	vshrl.u32 v3, $0x3  }
0x1a: {  	v4 =	vmul.u32 $0x30, v4  }
0x1b: {  	v3 =	vand.u32 $0x7, v3  }
0x1c: {  	v3 =	vor.u32 v3, v4  }
0x1d: {  	v4 =	vperm.xlane v3, v0;
	_ =	sdelay $0x1  }
0x1e: {  	v4 =	vadd.s32 v1, v4;
	_ =	sdelay $0x3  }
0x1f: {  	v3 =	vperm.xlane v3, v2  }
0x20: {  	[tilespmem:s8], [sflag:$0x1] =	stream.indirect_vreg.gather [hbm4b:s3+s2], $0x80, v4, vm0, $0xb8;
	[tilespmem:$0xC080] =	vst v63  }
0x21: {  	s1 =	rddreg [dreg:$0x5];
	v3 =	vadd.s32 v1, v3  }
0x22: {  	[tilespmem:s1], [sflag:$0x1] =	stream.indirect_vreg.gather [hbm4b:s4+s2], $0x80, v4, vm0, $0xb8;
	[tilespmem:$0xC080] =	vst v63  }
0x23: {  	_ = 	snop  }
0x24: {  	[tilespmem:s9], [sflag:$0x1] =	stream.indirect_vreg.gather [hbm4b:s5+s2], $0x80, v4, vm0, $0xb8;
	[tilespmem:$0xC080] =	vst v63  }
0x25: {  	_ = 	snop  }
0x26: {  	[tilespmem:s10], [sflag:$0x1] =	stream.indirect_vreg.gather [hbm4b:s3+s2], $0x80, v3, vm0, $0xb8;
	[tilespmem:$0xC080] =	vst v63  }
0x27: {  	_ = 	snop  }
0x28: {  	[tilespmem:s11], [sflag:$0x1] =	stream.indirect_vreg.gather [hbm4b:s4+s2], $0x80, v3, vm0, $0xb8;
	[tilespmem:$0xC080] =	vst v63  }
0x29: {  	_ = 	snop  }
0x2a: {  	[tilespmem:s12], [sflag:$0x1] =	stream.indirect_vreg.gather [hbm4b:s5+s2], $0x80, v3, vm0, $0xb8;
	[tilespmem:$0xC080] =	vst v63  }
0x2b: {  	v3 =	vld [tilespmem:$0x10];
	_ =	sdelay $0x4  }
0x2c: {  	v61 =	vshrl.u32 v3, $0x3  }
0x2d: {  	v4 =	vmul.u32 $0x30, v61  }
0x2e: {  	v3 =	vand.u32 $0x7, v3  }
0x2f: {  	v3 =	vor.u32 v3, v4  }
0x30: {  	v4 =	vperm.xlane v3, v0;
	_ =	sdelay $0x1  }
0x31: {  	v4 =	vadd.s32 v1, v4;
	_ =	sdelay $0x3  }
0x32: {  	v3 =	vperm.xlane v3, v2  }
0x33: {  	[tilespmem:s13], [sflag:$0x1] =	stream.indirect_vreg.gather [hbm4b:s3+s2], $0x80, v4, vm0, $0xb8;
	[tilespmem:$0xC080] =	vst v63  }
0x34: {  	v3 =	vadd.s32 v1, v3  }
0x35: {  	[tilespmem:s14], [sflag:$0x1] =	stream.indirect_vreg.gather [hbm4b:s4+s2], $0x80, v4, vm0, $0xb8;
	[tilespmem:$0xC080] =	vst v63  }
0x36: {  	_ = 	snop  }
0x37: {  	[tilespmem:s15], [sflag:$0x1] =	stream.indirect_vreg.gather [hbm4b:s5+s2], $0x80, v4, vm0, $0xb8;
	[tilespmem:$0xC080] =	vst v63  }
0x38: {  	_ = 	snop  }
0x39: {  	[tilespmem:s16], [sflag:$0x1] =	stream.indirect_vreg.gather [hbm4b:s3+s2], $0x80, v3, vm0, $0xb8;
	[tilespmem:$0xC080] =	vst v63  }
0x3a: {  	_ = 	snop  }
0x3b: {  	[tilespmem:s17], [sflag:$0x1] =	stream.indirect_vreg.gather [hbm4b:s4+s2], $0x80, v3, vm0, $0xb8;
	[tilespmem:$0xC080] =	vst v63  }
0x3c: {  	_ = 	snop  }
0x3d: {  	[tilespmem:s18], [sflag:$0x1] =	stream.indirect_vreg.gather [hbm4b:s5+s2], $0x80, v3, vm0, $0xb8;
	[tilespmem:$0xC080] =	vst v63  }
0x3e: {  	v3 =	vld [tilespmem:$0x20];
	_ =	sdelay $0x4  }
0x3f: {  	v62 =	vshrl.u32 v3, $0x3  }
0x40: {  	v4 =	vmul.u32 $0x30, v62  }
0x41: {  	v3 =	vand.u32 $0x7, v3  }
0x42: {  	v3 =	vor.u32 v3, v4  }
0x43: {  	v4 =	vperm.xlane v3, v0;
	_ =	sdelay $0x1  }
0x44: {  	v4 =	vadd.s32 v1, v4;
	_ =	sdelay $0x3  }
0x45: {  	v3 =	vperm.xlane v3, v2  }
0x46: {  	[tilespmem:s19], [sflag:$0x1] =	stream.indirect_vreg.gather [hbm4b:s3+s2], $0x80, v4, vm0, $0xb8;
	[tilespmem:$0xC080] =	vst v63  }
0x47: {  	v3 =	vadd.s32 v1, v3  }
0x48: {  	[tilespmem:s20], [sflag:$0x1] =	stream.indirect_vreg.gather [hbm4b:s4+s2], $0x80, v4, vm0, $0xb8;
	[tilespmem:$0xC080] =	vst v63  }
0x49: {  	_ = 	snop  }
0x4a: {  	[tilespmem:s21], [sflag:$0x1] =	stream.indirect_vreg.gather [hbm4b:s5+s2], $0x80, v4, vm0, $0xb8;
	[tilespmem:$0xC080] =	vst v63  }
0x4b: {  	_ = 	snop  }
0x4c: {  	[tilespmem:s22], [sflag:$0x1] =	stream.indirect_vreg.gather [hbm4b:s3+s2], $0x80, v3, vm0, $0xb8;
	[tilespmem:$0xC080] =	vst v63  }
0x4d: {  	_ = 	snop  }
0x4e: {  	[tilespmem:s23], [sflag:$0x1] =	stream.indirect_vreg.gather [hbm4b:s4+s2], $0x80, v3, vm0, $0xb8;
	[tilespmem:$0xC080] =	vst v63  }
0x4f: {  	_ = 	snop  }
0x50: {  	[tilespmem:s24], [sflag:$0x1] =	stream.indirect_vreg.gather [hbm4b:s5+s2], $0x80, v3, vm0, $0xb8;
	[tilespmem:$0xC080] =	vst v63  }
0x51: {  	v3 =	vld [tilespmem:$0x30];
	_ =	sdelay $0x4  }
0x52: {  	v63 =	vshrl.u32 v3, $0x3  }
0x53: {  	v4 =	vmul.u32 $0x30, v63  }
0x54: {  	v3 =	vand.u32 $0x7, v3  }
0x55: {  	v3 =	vor.u32 v3, v4  }
0x56: {  	v4 =	vperm.xlane v3, v0;
	_ =	sdelay $0x1  }
0x57: {  	v4 =	vadd.s32 v1, v4;
	_ =	sdelay $0x3  }
0x58: {  	v3 =	vperm.xlane v3, v2  }
0x59: {  	[tilespmem:s25], [sflag:$0x1] =	stream.indirect_vreg.gather [hbm4b:s3+s2], $0x80, v4, vm0, $0xb8;
	[tilespmem:$0xC080] =	vst v63  }
0x5a: {  	v3 =	vadd.s32 v1, v3  }
0x5b: {  	[tilespmem:s26], [sflag:$0x1] =	stream.indirect_vreg.gather [hbm4b:s4+s2], $0x80, v4, vm0, $0xb8;
	[tilespmem:$0xC080] =	vst v63  }
0x5c: {  	_ = 	snop  }
0x5d: {  	[tilespmem:s28], [sflag:$0x1] =	stream.indirect_vreg.gather [hbm4b:s5+s2], $0x80, v4, vm0, $0xb8;
	[tilespmem:$0xC080] =	vst v63  }
0x5e: {  	_ = 	snop  }
0x5f: {  	[tilespmem:s29], [sflag:$0x1] =	stream.indirect_vreg.gather [hbm4b:s3+s2], $0x80, v3, vm0, $0xb8;
	[tilespmem:$0xC080] =	vst v63  }
0x60: {  	_ = 	snop  }
0x61: {  	[tilespmem:s30], [sflag:$0x1] =	stream.indirect_vreg.gather [hbm4b:s4+s2], $0x80, v3, vm0, $0xb8;
	[tilespmem:$0xC080] =	vst v63  }
0x62: {  	_ = 	snop  }
0x63: {  	[tilespmem:s31], [sflag:$0x1] =	stream.indirect_vreg.gather [hbm4b:s5+s2], $0x80, v3, vm0, $0xb8;
	[tilespmem:$0xC080] =	vst v63  }
0x64: {  	_ =	swait.ge [sflag:s0], $0xC000  }
0x65: {  	p0 =	sne.s32 s6, $0x1;
	[sflag:s0] =	ssyncset.done $0x0  }
.Ltmp0:
0x66: {  	s1 =	rddreg [dreg:$0x4];
	[sflag:s0] =	ssyncadd.s32 $0xFFFF4000;
	(pc) =	sbr.rel @p0 .LBB2_1-.Ltmp0, $4  }
0x67: {  	[hbm4b:s1+s2] =	stream.linear.scatter [tilespmem:s8], [sflag:$0x2], $0xC000, $0x38;
	[tilespmem:$0xC080] =	vst v63  }
0x68: {  	_ =	swait.ge [sflag:s7], $0xC000  }
0x69: {  	[sflag:s7] =	ssyncset.done $0x0  }
0x6a: {  	s6 =	sadd.s32 $0xFFFFFFFF, s6;
	[sflag:s7] =	ssyncadd.s32 $0xFFFF4000  }
0x6b: {  	_ =	sfence.sel $0x180000  }
0x6c: {  	[bflag:$0x0] =	sbarrier.arrive $0xFFFF  }
0x6d: {  	_ =	strace $0x9000004A  }
0x6e: {  	s0 =	stileid.u32;
	[bflag:$0x2] =	sbarrier.arrive $0xFFFF  }
0x6f: {  	p0 =	sne.s32 s0, $0x0;
	s0 =	rddreg [dreg:$0x2]  }
0x70: {  	s0 =	sadd.s32 @!p0 $0x100000, s0  }
0x71: {  	[sflag:s0] =	ssyncadd.tile.s32 @!p0 $0x1;
	_ =	shalt  }
.Lfunc_end2:
_tile_overlayer_lowered:
.L_overlay_start_2:
0x72: {  	(tag) =	ssettag $0x2  }
0x73: {  	s0 =	rddreg [dreg:$0x0];
	s2 =	stileid.u32  }
0x74: {  	s1 =	rddreg [dreg:$0x1];
	p0 =	sne.s32 s2, $0x0  }
0x75: {  	s3 =	rddreg [dreg:$0x2];
	[bflag:$0x3] =	sbarrier.arrive $0xFFFF;
	s2 =	simm.s32 @!p0 $0x1C02  }
0x76: {  	[timem:s3], [sflag:s2] =	dma.local @!p0 [hbm:s0], s1  }
0x77: {  	s0 =	simm.s32 @!p0 $0x2  }
0x78: {  	_ =	swait.ge @!p0 [sflag:s0], s1  }
0x79: {  	s1 =	ssub.s32 @!p0 $0x0, s1;
	[sflag:s0] =	ssyncset.done @!p0 $0x0  }
0x7a: {  	[sflag:s0] =	ssyncadd.s32 @!p0 s1  }
0x7b: {  	[bflag:$0x3] =	sbarrier.arrive $0xFFFF  }
0x7c: {  	_ =	shalt  }

</sc_bundles>
